<compile_context>
chip_gen: v7x
topology: tpu7x:2x2x1
jax: 0.10.2.dev20260603
libtpu: 0.0.44.dev20260713+nightly
codegen_flags: <defaults>
</compile_context>

<pallas_src>
import functools

import jax
import jax.numpy as jnp
from jax import lax
from jax.experimental import pallas as pl
from jax.experimental.pallas import tpu as pltpu
from jax.experimental.pallas import tpu_sc as plsc

BINS = 64
LANES = 16
NW = 32
ROWS = 64
CH = ROWS * 512
PLANE = 512 * 512
PER_W = 3 * PLANE
NCHUNK = PER_W // CH
CPP = PLANE // CH
HIST = LANES * 3 * BINS
UNROLL = 16


def _sc_partial_hists(pred_flat, target_flat):
  mesh = plsc.VectorSubcoreMesh(core_axis_name="c", subcore_axis_name="s")

  @functools.partial(
      pl.kernel,
      mesh=mesh,
      out_type=jax.ShapeDtypeStruct((NW, 3 * BINS), jnp.float32),
      compiler_params=pltpu.CompilerParams(needs_layout_passes=False),
      scratch_types=[
          pltpu.VMEM((ROWS, 512), jnp.float32),
          pltpu.VMEM((ROWS, 512), jnp.float32),
          pltpu.VMEM((HIST,), jnp.float32),
          pltpu.VMEM((3 * BINS,), jnp.float32),
          pltpu.SemaphoreType.DMA,
          pltpu.SemaphoreType.DMA,
      ],
  )
  def k(pred_hbm, target_hbm, out_hbm, buf0, buf1, hist, hist2, sem0, sem1):
    wid = lax.axis_index("s") * 2 + lax.axis_index("c")

    zeros = jnp.zeros((LANES,), jnp.float32)
    lane_iota = lax.iota(jnp.int32, LANES)
    ones = jnp.ones((LANES,), jnp.float32)

    def process(src_hbm, batch):
      bufs = (buf0, buf1)
      sems = (sem0, sem1)

      def start(g, b):
        chan = g // CPP
        kb = g - chan * CPP
        pltpu.async_copy(
            src_hbm.at[batch, chan, pl.ds(kb * ROWS, ROWS), :],
            bufs[b], sems[b])

      for b in range(2):
        start(b, b)

      def zero_body(i, carry):
        hist[pl.ds(i * LANES, LANES)] = zeros
        return carry

      lax.fori_loop(0, HIST // LANES, zero_body, 0)

      def chunk_body(g2, carry):
        for b in range(2):
          g = g2 * 2 + b
          chan = g // CPP
          pltpu.make_async_copy(
              src_hbm.at[batch, 0, pl.ds(0, ROWS), :],
              bufs[b], sems[b]).wait()
          off = lane_iota + chan * (BINS * LANES)

          @plsc.parallel_loop(0, CH // LANES, unroll=UNROLL)
          def vec_body(i, buf=bufs[b], off=off):
            r = lax.shift_right_logical(i, 5)
            c0 = lax.shift_left(i & 31, 4)
            x = buf[r, pl.ds(c0, LANES)]
            u = plsc.bitcast(x + 1.0, jnp.int32)
            addr = ((u >> 13) & 0x3F0) + off
            plsc.addupdate_scatter(hist, [addr], ones)

          nxt = g + 2

          @pl.when(nxt < NCHUNK)
          def _(b=b, nxt=nxt):
            start(nxt, b)
        return carry

      lax.fori_loop(0, NCHUNK // 2, chunk_body, 0)

    @pl.when(wid < 16)
    def _():
      process(pred_hbm, wid)

    @pl.when(wid >= 16)
    def _():
      process(target_hbm, wid - 16)

    lane16 = lane_iota * LANES
    rots = [lane16 + ((lane_iota + l) & (LANES - 1)) for l in range(LANES)]

    def red_body(k_grp, carry):
      base = k_grp * (LANES * LANES)
      acc = jnp.zeros((LANES,), jnp.float32)
      for l in range(LANES):
        acc = acc + plsc.load_gather(hist, [base + rots[l]])
      hist2[pl.ds(k_grp * LANES, LANES)] = acc
      return carry

    lax.fori_loop(0, 3 * BINS // LANES, red_body, 0)

    pltpu.sync_copy(hist2, out_hbm.at[wid])

  return k(pred_flat, target_flat)


def _tc_reduce(partials):

  def body(h_ref, o_ref):
    h = h_ref[...]
    ph = jnp.sum(h[: NW // 2], axis=0, keepdims=True)
    th = jnp.sum(h[NW // 2:], axis=0, keepdims=True)
    cid = lax.broadcasted_iota(jnp.int32, (1, 3 * BINS), 1) // BINS
    pden = jnp.zeros((1, 3 * BINS), jnp.float32)
    tden = jnp.zeros((1, 3 * BINS), jnp.float32)
    for c in range(3):
      sel = cid == c
      ps = jnp.sum(jnp.where(sel, ph, 0.0))
      ts = jnp.sum(jnp.where(sel, th, 0.0))
      pden = jnp.where(sel, ps, pden)
      tden = jnp.where(sel, ts, tden)
    diff = jnp.abs(ph / (pden + 1e-7) - th / (tden + 1e-7))
    o_ref[0, 0] = jnp.sum(diff) / (3.0 * BINS)

  out = pl.pallas_call(
      body,
      out_shape=jax.ShapeDtypeStruct((1, 1), jnp.float32),
      out_specs=pl.BlockSpec(memory_space=pltpu.SMEM),
  )(partials)
  return out[0, 0]


@jax.jit
def kernel(pred, target):
  partials = _sc_partial_hists(pred, target)
  return _tc_reduce(partials)

# --- scband reference (transcript-rebuilt; emitter-appended) ---
"""Pipeline reference for scband-color-histogram-loss-52733608460433 (READ-ONLY COPY).

The authoritative reference and input builder live on the scoring server;
editing this copy changes nothing except your own understanding.
"""

import jax, jax.numpy as jnp
import numpy as np

BINS = 64

def _histc(x, bins, mn, mx):
    # torch.histc semantics: values outside [mn, mx] are ignored; value == mx goes to last bin
    mask = (x >= mn) & (x <= mx)
    idx = jnp.floor((x - mn) / (mx - mn) * bins).astype(jnp.int32)
    idx = jnp.clip(idx, 0, bins - 1)
    w = mask.astype(jnp.float32)
    return jnp.zeros((bins,), dtype=jnp.float32).at[idx].add(w)

def setup_inputs(seed: int = 0) -> dict:
    key = jax.random.key(seed)
    k1, k2 = jax.random.split(key)
    pred = jax.random.uniform(k1, (16, 3, 512, 512), dtype=jnp.float32)
    target = jax.random.uniform(k2, (16, 3, 512, 512), dtype=jnp.float32)
    return {"pred": pred, "target": target}

def reference(pred, target):
    loss = 0.0
    for c in range(3):
        p = pred[:, c].reshape(-1)
        t = target[:, c].reshape(-1)
        pred_hist = _histc(p, BINS, 0.0, 1.0)
        target_hist = _histc(t, BINS, 0.0, 1.0)
        pred_hist = pred_hist / (pred_hist.sum() + 1e-07)
        target_hist = target_hist / (target_hist.sum() + 1e-07)
        loss = loss + jnp.mean(jnp.abs(pred_hist - target_hist))
    return loss / 3

if __name__ == "__main__":
    import jax
    _d = setup_inputs()
    print(jax.jit(kernel)(*tuple(_d.values())))

</pallas_src>

<mosaic_0001>
#map = affine_map<(d0, d1) -> (0, 0, 0, 0)>
#map1 = affine_map<(d0, d1) -> (0, 0)>
module attributes {stable_mosaic.version = 14 : i64} {
  func.func @k(%arg0: i32, %arg1: i32, %arg2: memref<16x3x512x512xf32, #tpu.memory_space<hbm>>, %arg3: memref<16x3x512x512xf32, #tpu.memory_space<hbm>>, %arg4: memref<32x192xf32, #tpu.memory_space<hbm>>, %arg5: memref<64x512xf32, #tpu.memory_space<vmem>>, %arg6: memref<64x512xf32, #tpu.memory_space<vmem>>, %arg7: memref<3072xf32, #tpu.memory_space<vmem>>, %arg8: memref<192xf32, #tpu.memory_space<vmem>>, %arg9: memref<!tpu.dma_semaphore, #tpu.memory_space<semaphore_mem>>, %arg10: memref<!tpu.dma_semaphore, #tpu.memory_space<semaphore_mem>>) attributes {dimension_semantics = [#tpu.dimension_semantics<core_parallel>, #tpu.dimension_semantics<subcore_parallel>], iteration_bounds = array<i64: 2, 16>, scalar_prefetch = 0 : i64, scratch_operands = 6 : i64, tpu.core_type = #tpu.core_type<sc_vector_subcore>, window_params = [{transform_indices = #map}, {transform_indices = #map}, {transform_indices = #map1}]} {
    %mul3A = arith.constant 2 : i32
    %mul3A_0 = arith.muli %arg1, %mul3A : i32
    %add3A = arith.addi %mul3A_0, %arg0 : i32
    %broadcast_in_dim3A = arith.constant 0.000000e+00 : f32
    %broadcast_in_dim3A_1 = vector.broadcast %broadcast_in_dim3A : f32 to vector<16xf32>
    %iota3A = tpu.iota {dimensions = array<i32: 0>} : vector<16xi32>
    %broadcast_in_dim3A_2 = arith.constant 1.000000e+00 : f32
    %broadcast_in_dim3A_3 = vector.broadcast %broadcast_in_dim3A_2 : f32 to vector<16xf32>
    %lt3A = arith.constant 16 : i32
    %lt3A_4 = arith.cmpi slt, %add3A, %lt3A : i32
    %convert_element_type3A = arith.extui %lt3A_4 : i1 to i32
    %cond3A = arith.constant 0 : i32
    %cond3A_5 = arith.cmpi ne, %convert_element_type3A, %cond3A : i32
    scf.if %cond3A_5 {
      %dma_start3A = arith.constant 0 : i32
      %dma_start3A_129 = arith.constant 0 : i32
      %dma_start3A_130 = arith.constant 0 : i32
      %dma_start3A_131 = tpu.memref_slice %arg2[%add3A, %dma_start3A, %dma_start3A_129, %dma_start3A_130] : memref<16x3x512x512xf32, #tpu.memory_space<hbm>> -> memref<1x1x64x512xf32, #tpu.memory_space<hbm>>
      %dma_start3A_132 = tpu.memref_squeeze %dma_start3A_131 : memref<1x1x64x512xf32, #tpu.memory_space<hbm>> -> memref<64x512xf32, #tpu.memory_space<hbm>>
      %dma_start3A_133 = arith.constant 0 : i32
      %dma_start3A_134 = arith.constant 0 : i32
      %dma_start3A_135 = tpu.memref_slice %arg2[%add3A, %dma_start3A, %dma_start3A_133, %dma_start3A_134] : memref<16x3x512x512xf32, #tpu.memory_space<hbm>> -> memref<1x1x64x512xf32, #tpu.memory_space<hbm>>
      %dma_start3A_136 = tpu.memref_squeeze %dma_start3A_135 : memref<1x1x64x512xf32, #tpu.memory_space<hbm>> -> memref<64x512xf32, #tpu.memory_space<hbm>>
      tpu.enqueue_dma source(%dma_start3A_136 : memref<64x512xf32, #tpu.memory_space<hbm>>) target(%arg5 : memref<64x512xf32, #tpu.memory_space<vmem>>) target_semaphore(%arg9 : memref<!tpu.dma_semaphore, #tpu.memory_space<semaphore_mem>>)
      %dma_start3A_137 = arith.constant 0 : i32
      %dma_start3A_138 = arith.constant 64 : i32
      %dma_start3A_139 = arith.constant 0 : i32
      %dma_start3A_140 = tpu.memref_slice %arg2[%add3A, %dma_start3A_137, %dma_start3A_138, %dma_start3A_139] : memref<16x3x512x512xf32, #tpu.memory_space<hbm>> -> memref<1x1x64x512xf32, #tpu.memory_space<hbm>>
      %dma_start3A_141 = tpu.memref_squeeze %dma_start3A_140 : memref<1x1x64x512xf32, #tpu.memory_space<hbm>> -> memref<64x512xf32, #tpu.memory_space<hbm>>
      %dma_start3A_142 = arith.constant 64 : i32
      %dma_start3A_143 = arith.constant 0 : i32
      %dma_start3A_144 = tpu.memref_slice %arg2[%add3A, %dma_start3A_137, %dma_start3A_142, %dma_start3A_143] : memref<16x3x512x512xf32, #tpu.memory_space<hbm>> -> memref<1x1x64x512xf32, #tpu.memory_space<hbm>>
      %dma_start3A_145 = tpu.memref_squeeze %dma_start3A_144 : memref<1x1x64x512xf32, #tpu.memory_space<hbm>> -> memref<64x512xf32, #tpu.memory_space<hbm>>
      tpu.enqueue_dma source(%dma_start3A_145 : memref<64x512xf32, #tpu.memory_space<hbm>>) target(%arg6 : memref<64x512xf32, #tpu.memory_space<vmem>>) target_semaphore(%arg10 : memref<!tpu.dma_semaphore, #tpu.memory_space<semaphore_mem>>)
      %scan3A_146 = arith.constant 0 : i32
      %scan3A_147 = arith.constant 0 : i32
      %scan3A_148 = arith.constant 192 : i32
      %scan3A_149 = arith.addi %scan3A_147, %scan3A_148 : i32
      %scan3A_150 = arith.constant 1 : i32
      scf.for %scan3A_158 = %scan3A_147 to %scan3A_149 step %scan3A_150  : i32 {
        %mul3A_159 = arith.constant 16 : i32
        %mul3A_160 = arith.muli %scan3A_158, %mul3A_159 : i32
        %swap3A = arith.index_cast %mul3A_160 : i32 to index
        %swap3A_161 = tpu.vector_load %arg7[%swap3A] {strides = array<i32>} : memref<3072xf32, #tpu.memory_space<vmem>>, vector<16xf32>,
        tpu.vector_store %arg7[%swap3A], %broadcast_in_dim3A_1 {strides = array<i32>} : memref<3072xf32, #tpu.memory_space<vmem>>, vector<16xf32>,
      }
      %scan3A_151 = arith.constant 192 : i32
      %scan3A_152 = arith.constant 0 : i32
      %scan3A_153 = arith.constant 0 : i32
      %scan3A_154 = arith.constant 12 : i32
      %scan3A_155 = arith.addi %scan3A_153, %scan3A_154 : i32
      %scan3A_156 = arith.constant 1 : i32
      scf.for %scan3A_158 = %scan3A_153 to %scan3A_155 step %scan3A_156  : i32 {
        %mul3A_159 = arith.constant 2 : i32
        %mul3A_160 = arith.muli %scan3A_158, %mul3A_159 : i32
        %add3A_161 = arith.constant 0 : i32
        %add3A_162 = arith.addi %mul3A_160, %add3A_161 : i32
        %jit3A = arith.constant 8 : i32
        %div3A = arith.divsi %add3A_162, %jit3A : i32
        %sign3A = arith.constant 0 : i32
        %sign3A_163 = arith.cmpi sgt, %add3A_162, %sign3A : i32
        %sign3A_164 = arith.extui %sign3A_163 : i1 to i32
        %sign3A_165 = arith.constant 0 : i32
        %sign3A_166 = arith.cmpi slt, %add3A_162, %sign3A_165 : i32
        %sign3A_167 = arith.extui %sign3A_166 : i1 to i32
        %sign3A_168 = arith.subi %sign3A_164, %sign3A_167 : i32
        %sign3A_169 = arith.constant 0 : i32
        %sign3A_170 = arith.cmpi sgt, %jit3A, %sign3A_169 : i32
        %sign3A_171 = arith.extui %sign3A_170 : i1 to i32
        %sign3A_172 = arith.constant 0 : i32
        %sign3A_173 = arith.cmpi slt, %jit3A, %sign3A_172 : i32
        %sign3A_174 = arith.extui %sign3A_173 : i1 to i32
        %sign3A_175 = arith.subi %sign3A_171, %sign3A_174 : i32
        %ne3A = arith.cmpi ne, %sign3A_168, %sign3A_175 : i32
        %rem3A = arith.remsi %add3A_162, %jit3A : i32
        %ne3A_176 = arith.constant 0 : i32
        %ne3A_177 = arith.cmpi ne, %rem3A, %ne3A_176 : i32
        %and3A_178 = arith.andi %ne3A, %ne3A_177 : i1
        %sub3A = arith.constant 1 : i32
        %sub3A_179 = arith.subi %div3A, %sub3A : i32
        %select_n3A = arith.select %and3A_178, %sub3A_179, %div3A : i32
        %dma_wait3A = arith.constant 0 : i32
        %dma_wait3A_180 = arith.constant 0 : i32
        %dma_wait3A_181 = arith.constant 0 : i32
        %dma_wait3A_182 = tpu.memref_slice %arg2[%add3A, %dma_wait3A, %dma_wait3A_180, %dma_wait3A_181] : memref<16x3x512x512xf32, #tpu.memory_space<hbm>> -> memref<1x1x64x512xf32, #tpu.memory_space<hbm>>
        %dma_wait3A_183 = tpu.memref_squeeze %dma_wait3A_182 : memref<1x1x64x512xf32, #tpu.memory_space<hbm>> -> memref<64x512xf32, #tpu.memory_space<hbm>>
        %dma_wait3A_184 = arith.constant 0 : i32
        %dma_wait3A_185 = arith.constant 0 : i32
        %dma_wait3A_186 = tpu.memref_slice %arg2[%add3A, %dma_wait3A, %dma_wait3A_184, %dma_wait3A_185] : memref<16x3x512x512xf32, #tpu.memory_space<hbm>> -> memref<1x1x64x512xf32, #tpu.memory_space<hbm>>
        %dma_wait3A_187 = tpu.memref_squeeze %dma_wait3A_186 : memref<1x1x64x512xf32, #tpu.memory_space<hbm>> -> memref<64x512xf32, #tpu.memory_space<hbm>>
        tpu.wait_dma2 semaphore(%arg9 : memref<!tpu.dma_semaphore, #tpu.memory_space<semaphore_mem>>) src(%dma_wait3A_187 : memref<64x512xf32, #tpu.memory_space<hbm>>) dst(%arg5 : memref<64x512xf32, #tpu.memory_space<vmem>>)
        %mul3A_188 = arith.constant 1024 : i32
        %mul3A_189 = arith.muli %select_n3A, %mul3A_188 : i32
        %add3A_190 = vector.broadcast %mul3A_189 : i32 to vector<16xi32>
        %add3A_191 = arith.addi %iota3A, %add3A_190 : vector<16xi32>
        %parallel_loop3A = arith.constant 0 : i32
        %parallel_loop3A_192 = arith.constant 2048 : i32
        %parallel_loop3A_193 = arith.constant 1 : i32
        scf.for %parallel_loop3A_252 = %parallel_loop3A to %parallel_loop3A_192 step %parallel_loop3A_193  : i32 {
          %parallel_loop3A_253 = arith.constant 5 : i32
          %parallel_loop3A_254 = arith.shrui %parallel_loop3A_252, %parallel_loop3A_253 : i32
          %parallel_loop3A_255 = arith.constant 31 : i32
          %parallel_loop3A_256 = arith.andi %parallel_loop3A_252, %parallel_loop3A_255 : i32
          %parallel_loop3A_257 = arith.constant 4 : i32
          %parallel_loop3A_258 = arith.shli %parallel_loop3A_256, %parallel_loop3A_257 : i32
          %parallel_loop3A_259 = arith.index_cast %parallel_loop3A_254 : i32 to index
          %parallel_loop3A_260 = arith.index_cast %parallel_loop3A_258 : i32 to index
          %parallel_loop3A_261 = tpu.vector_load %arg5[%parallel_loop3A_259, %parallel_loop3A_260] {strides = array<i32>} : memref<64x512xf32, #tpu.memory_space<vmem>>, vector<16xf32>,
          %parallel_loop3A_262 = arith.constant 1.000000e+00 : f32
          %parallel_loop3A_263 = vector.broadcast %parallel_loop3A_262 : f32 to vector<16xf32>
          %parallel_loop3A_264 = arith.addf %parallel_loop3A_261, %parallel_loop3A_263 : vector<16xf32>
          %parallel_loop3A_265 = vector.bitcast %parallel_loop3A_264 : vector<16xf32> to vector<16xi32>
          %parallel_loop3A_266 = arith.constant 13 : i32
          %parallel_loop3A_267 = vector.broadcast %parallel_loop3A_266 : i32 to vector<16xi32>
          %parallel_loop3A_268 = arith.shrsi %parallel_loop3A_265, %parallel_loop3A_267 : vector<16xi32>
          %parallel_loop3A_269 = arith.constant 1008 : i32
          %parallel_loop3A_270 = vector.broadcast %parallel_loop3A_269 : i32 to vector<16xi32>
          %parallel_loop3A_271 = arith.andi %parallel_loop3A_268, %parallel_loop3A_270 : vector<16xi32>
          %parallel_loop3A_272 = arith.addi %parallel_loop3A_271, %add3A_191 : vector<16xi32>
          tpu.vector_store_idx %arg7[%parallel_loop3A_272], %broadcast_in_dim3A_3 {add = true} : memref<3072xf32, #tpu.memory_space<vmem>>[vector<16xi32>], vector<16xf32>,
        } {sc.loop_unroll_factor = 16 : i64, sc.parallel_access}
        %add3A_194 = arith.constant 2 : i32
        %add3A_195 = arith.addi %add3A_162, %add3A_194 : i32
        %lt3A_196 = arith.constant 24 : i32
        %lt3A_197 = arith.cmpi slt, %add3A_195, %lt3A_196 : i32
        %convert_element_type3A_198 = arith.extui %lt3A_197 : i1 to i32
        %cond3A_199 = arith.constant 0 : i32
        %cond3A_200 = arith.cmpi ne, %convert_element_type3A_198, %cond3A_199 : i32
        scf.if %cond3A_200 {
          %jit3A_252 = arith.constant 8 : i32
          %div3A_253 = arith.divsi %add3A_195, %jit3A_252 : i32
          %sign3A_254 = arith.constant 0 : i32
          %sign3A_255 = arith.cmpi sgt, %add3A_195, %sign3A_254 : i32
          %sign3A_256 = arith.extui %sign3A_255 : i1 to i32
          %sign3A_257 = arith.constant 0 : i32
          %sign3A_258 = arith.cmpi slt, %add3A_195, %sign3A_257 : i32
          %sign3A_259 = arith.extui %sign3A_258 : i1 to i32
          %sign3A_260 = arith.subi %sign3A_256, %sign3A_259 : i32
          %sign3A_261 = arith.constant 0 : i32
          %sign3A_262 = arith.cmpi sgt, %jit3A_252, %sign3A_261 : i32
          %sign3A_263 = arith.extui %sign3A_262 : i1 to i32
          %sign3A_264 = arith.constant 0 : i32
          %sign3A_265 = arith.cmpi slt, %jit3A_252, %sign3A_264 : i32
          %sign3A_266 = arith.extui %sign3A_265 : i1 to i32
          %sign3A_267 = arith.subi %sign3A_263, %sign3A_266 : i32
          %ne3A_268 = arith.cmpi ne, %sign3A_260, %sign3A_267 : i32
          %rem3A_269 = arith.remsi %add3A_195, %jit3A_252 : i32
          %ne3A_270 = arith.constant 0 : i32
          %ne3A_271 = arith.cmpi ne, %rem3A_269, %ne3A_270 : i32
          %and3A_272 = arith.andi %ne3A_268, %ne3A_271 : i1
          %sub3A_273 = arith.constant 1 : i32
          %sub3A_274 = arith.subi %div3A_253, %sub3A_273 : i32
          %select_n3A_275 = arith.select %and3A_272, %sub3A_274, %div3A_253 : i32
          %mul3A_276 = arith.constant 8 : i32
          %mul3A_277 = arith.muli %select_n3A_275, %mul3A_276 : i32
          %sub3A_278 = arith.subi %add3A_195, %mul3A_277 : i32
          %mul3A_279 = arith.constant 64 : i32
          %mul3A_280 = arith.muli %sub3A_278, %mul3A_279 : i32
          %dma_start3A_281 = arith.constant 0 : i32
          %dma_start3A_282 = tpu.memref_slice %arg2[%add3A, %select_n3A_275, %mul3A_280, %dma_start3A_281] : memref<16x3x512x512xf32, #tpu.memory_space<hbm>> -> memref<1x1x64x512xf32, #tpu.memory_space<hbm>>
          %dma_start3A_283 = tpu.memref_squeeze %dma_start3A_282 : memref<1x1x64x512xf32, #tpu.memory_space<hbm>> -> memref<64x512xf32, #tpu.memory_space<hbm>>
          %dma_start3A_284 = arith.constant 0 : i32
          %dma_start3A_285 = tpu.memref_slice %arg2[%add3A, %select_n3A_275, %mul3A_280, %dma_start3A_284] : memref<16x3x512x512xf32, #tpu.memory_space<hbm>> -> memref<1x1x64x512xf32, #tpu.memory_space<hbm>>
          %dma_start3A_286 = tpu.memref_squeeze %dma_start3A_285 : memref<1x1x64x512xf32, #tpu.memory_space<hbm>> -> memref<64x512xf32, #tpu.memory_space<hbm>>
          tpu.enqueue_dma source(%dma_start3A_286 : memref<64x512xf32, #tpu.memory_space<hbm>>) target(%arg5 : memref<64x512xf32, #tpu.memory_space<vmem>>) target_semaphore(%arg9 : memref<!tpu.dma_semaphore, #tpu.memory_space<semaphore_mem>>)
        } else {
        }
        %mul3A_201 = arith.constant 2 : i32
        %mul3A_202 = arith.muli %scan3A_158, %mul3A_201 : i32
        %add3A_203 = arith.constant 1 : i32
        %add3A_204 = arith.addi %mul3A_202, %add3A_203 : i32
        %jit3A_205 = arith.constant 8 : i32
        %div3A_206 = arith.divsi %add3A_204, %jit3A_205 : i32
        %sign3A_207 = arith.constant 0 : i32
        %sign3A_208 = arith.cmpi sgt, %add3A_204, %sign3A_207 : i32
        %sign3A_209 = arith.extui %sign3A_208 : i1 to i32
        %sign3A_210 = arith.constant 0 : i32
        %sign3A_211 = arith.cmpi slt, %add3A_204, %sign3A_210 : i32
        %sign3A_212 = arith.extui %sign3A_211 : i1 to i32
        %sign3A_213 = arith.subi %sign3A_209, %sign3A_212 : i32
        %sign3A_214 = arith.constant 0 : i32
        %sign3A_215 = arith.cmpi sgt, %jit3A_205, %sign3A_214 : i32
        %sign3A_216 = arith.extui %sign3A_215 : i1 to i32
        %sign3A_217 = arith.constant 0 : i32
        %sign3A_218 = arith.cmpi slt, %jit3A_205, %sign3A_217 : i32
        %sign3A_219 = arith.extui %sign3A_218 : i1 to i32
        %sign3A_220 = arith.subi %sign3A_216, %sign3A_219 : i32
        %ne3A_221 = arith.cmpi ne, %sign3A_213, %sign3A_220 : i32
        %rem3A_222 = arith.remsi %add3A_204, %jit3A_205 : i32
        %ne3A_223 = arith.constant 0 : i32
        %ne3A_224 = arith.cmpi ne, %rem3A_222, %ne3A_223 : i32
        %and3A_225 = arith.andi %ne3A_221, %ne3A_224 : i1
        %sub3A_226 = arith.constant 1 : i32
        %sub3A_227 = arith.subi %div3A_206, %sub3A_226 : i32
        %select_n3A_228 = arith.select %and3A_225, %sub3A_227, %div3A_206 : i32
        %dma_wait3A_229 = arith.constant 0 : i32
        %dma_wait3A_230 = arith.constant 0 : i32
        %dma_wait3A_231 = arith.constant 0 : i32
        %dma_wait3A_232 = tpu.memref_slice %arg2[%add3A, %dma_wait3A_229, %dma_wait3A_230, %dma_wait3A_231] : memref<16x3x512x512xf32, #tpu.memory_space<hbm>> -> memref<1x1x64x512xf32, #tpu.memory_space<hbm>>
        %dma_wait3A_233 = tpu.memref_squeeze %dma_wait3A_232 : memref<1x1x64x512xf32, #tpu.memory_space<hbm>> -> memref<64x512xf32, #tpu.memory_space<hbm>>
        %dma_wait3A_234 = arith.constant 0 : i32
        %dma_wait3A_235 = arith.constant 0 : i32
        %dma_wait3A_236 = tpu.memref_slice %arg2[%add3A, %dma_wait3A_229, %dma_wait3A_234, %dma_wait3A_235] : memref<16x3x512x512xf32, #tpu.memory_space<hbm>> -> memref<1x1x64x512xf32, #tpu.memory_space<hbm>>
        %dma_wait3A_237 = tpu.memref_squeeze %dma_wait3A_236 : memref<1x1x64x512xf32, #tpu.memory_space<hbm>> -> memref<64x512xf32, #tpu.memory_space<hbm>>
        tpu.wait_dma2 semaphore(%arg10 : memref<!tpu.dma_semaphore, #tpu.memory_space<semaphore_mem>>) src(%dma_wait3A_237 : memref<64x512xf32, #tpu.memory_space<hbm>>) dst(%arg6 : memref<64x512xf32, #tpu.memory_space<vmem>>)
        %mul3A_238 = arith.constant 1024 : i32
        %mul3A_239 = arith.muli %select_n3A_228, %mul3A_238 : i32
        %add3A_240 = vector.broadcast %mul3A_239 : i32 to vector<16xi32>
        %add3A_241 = arith.addi %iota3A, %add3A_240 : vector<16xi32>
        %parallel_loop3A_242 = arith.constant 0 : i32
        %parallel_loop3A_243 = arith.constant 2048 : i32
        %parallel_loop3A_244 = arith.constant 1 : i32
        scf.for %parallel_loop3A_252 = %parallel_loop3A_242 to %parallel_loop3A_243 step %parallel_loop3A_244  : i32 {
          %parallel_loop3A_253 = arith.constant 5 : i32
          %parallel_loop3A_254 = arith.shrui %parallel_loop3A_252, %parallel_loop3A_253 : i32
          %parallel_loop3A_255 = arith.constant 31 : i32
          %parallel_loop3A_256 = arith.andi %parallel_loop3A_252, %parallel_loop3A_255 : i32
          %parallel_loop3A_257 = arith.constant 4 : i32
          %parallel_loop3A_258 = arith.shli %parallel_loop3A_256, %parallel_loop3A_257 : i32
          %parallel_loop3A_259 = arith.index_cast %parallel_loop3A_254 : i32 to index
          %parallel_loop3A_260 = arith.index_cast %parallel_loop3A_258 : i32 to index
          %parallel_loop3A_261 = tpu.vector_load %arg6[%parallel_loop3A_259, %parallel_loop3A_260] {strides = array<i32>} : memref<64x512xf32, #tpu.memory_space<vmem>>, vector<16xf32>,
          %parallel_loop3A_262 = arith.constant 1.000000e+00 : f32
          %parallel_loop3A_263 = vector.broadcast %parallel_loop3A_262 : f32 to vector<16xf32>
          %parallel_loop3A_264 = arith.addf %parallel_loop3A_261, %parallel_loop3A_263 : vector<16xf32>
          %parallel_loop3A_265 = vector.bitcast %parallel_loop3A_264 : vector<16xf32> to vector<16xi32>
          %parallel_loop3A_266 = arith.constant 13 : i32
          %parallel_loop3A_267 = vector.broadcast %parallel_loop3A_266 : i32 to vector<16xi32>
          %parallel_loop3A_268 = arith.shrsi %parallel_loop3A_265, %parallel_loop3A_267 : vector<16xi32>
          %parallel_loop3A_269 = arith.constant 1008 : i32
          %parallel_loop3A_270 = vector.broadcast %parallel_loop3A_269 : i32 to vector<16xi32>
          %parallel_loop3A_271 = arith.andi %parallel_loop3A_268, %parallel_loop3A_270 : vector<16xi32>
          %parallel_loop3A_272 = arith.addi %parallel_loop3A_271, %add3A_241 : vector<16xi32>
          tpu.vector_store_idx %arg7[%parallel_loop3A_272], %broadcast_in_dim3A_3 {add = true} : memref<3072xf32, #tpu.memory_space<vmem>>[vector<16xi32>], vector<16xf32>,
        } {sc.loop_unroll_factor = 16 : i64, sc.parallel_access}
        %add3A_245 = arith.constant 2 : i32
        %add3A_246 = arith.addi %add3A_204, %add3A_245 : i32
        %lt3A_247 = arith.constant 24 : i32
        %lt3A_248 = arith.cmpi slt, %add3A_246, %lt3A_247 : i32
        %convert_element_type3A_249 = arith.extui %lt3A_248 : i1 to i32
        %cond3A_250 = arith.constant 0 : i32
        %cond3A_251 = arith.cmpi ne, %convert_element_type3A_249, %cond3A_250 : i32
        scf.if %cond3A_251 {
          %jit3A_252 = arith.constant 8 : i32
          %div3A_253 = arith.divsi %add3A_246, %jit3A_252 : i32
          %sign3A_254 = arith.constant 0 : i32
          %sign3A_255 = arith.cmpi sgt, %add3A_246, %sign3A_254 : i32
          %sign3A_256 = arith.extui %sign3A_255 : i1 to i32
          %sign3A_257 = arith.constant 0 : i32
          %sign3A_258 = arith.cmpi slt, %add3A_246, %sign3A_257 : i32
          %sign3A_259 = arith.extui %sign3A_258 : i1 to i32
          %sign3A_260 = arith.subi %sign3A_256, %sign3A_259 : i32
          %sign3A_261 = arith.constant 0 : i32
          %sign3A_262 = arith.cmpi sgt, %jit3A_252, %sign3A_261 : i32
          %sign3A_263 = arith.extui %sign3A_262 : i1 to i32
          %sign3A_264 = arith.constant 0 : i32
          %sign3A_265 = arith.cmpi slt, %jit3A_252, %sign3A_264 : i32
          %sign3A_266 = arith.extui %sign3A_265 : i1 to i32
          %sign3A_267 = arith.subi %sign3A_263, %sign3A_266 : i32
          %ne3A_268 = arith.cmpi ne, %sign3A_260, %sign3A_267 : i32
          %rem3A_269 = arith.remsi %add3A_246, %jit3A_252 : i32
          %ne3A_270 = arith.constant 0 : i32
          %ne3A_271 = arith.cmpi ne, %rem3A_269, %ne3A_270 : i32
          %and3A_272 = arith.andi %ne3A_268, %ne3A_271 : i1
          %sub3A_273 = arith.constant 1 : i32
          %sub3A_274 = arith.subi %div3A_253, %sub3A_273 : i32
          %select_n3A_275 = arith.select %and3A_272, %sub3A_274, %div3A_253 : i32
          %mul3A_276 = arith.constant 8 : i32
          %mul3A_277 = arith.muli %select_n3A_275, %mul3A_276 : i32
          %sub3A_278 = arith.subi %add3A_246, %mul3A_277 : i32
          %mul3A_279 = arith.constant 64 : i32
          %mul3A_280 = arith.muli %sub3A_278, %mul3A_279 : i32
          %dma_start3A_281 = arith.constant 0 : i32
          %dma_start3A_282 = tpu.memref_slice %arg2[%add3A, %select_n3A_275, %mul3A_280, %dma_start3A_281] : memref<16x3x512x512xf32, #tpu.memory_space<hbm>> -> memref<1x1x64x512xf32, #tpu.memory_space<hbm>>
          %dma_start3A_283 = tpu.memref_squeeze %dma_start3A_282 : memref<1x1x64x512xf32, #tpu.memory_space<hbm>> -> memref<64x512xf32, #tpu.memory_space<hbm>>
          %dma_start3A_284 = arith.constant 0 : i32
          %dma_start3A_285 = tpu.memref_slice %arg2[%add3A, %select_n3A_275, %mul3A_280, %dma_start3A_284] : memref<16x3x512x512xf32, #tpu.memory_space<hbm>> -> memref<1x1x64x512xf32, #tpu.memory_space<hbm>>
          %dma_start3A_286 = tpu.memref_squeeze %dma_start3A_285 : memref<1x1x64x512xf32, #tpu.memory_space<hbm>> -> memref<64x512xf32, #tpu.memory_space<hbm>>
          tpu.enqueue_dma source(%dma_start3A_286 : memref<64x512xf32, #tpu.memory_space<hbm>>) target(%arg6 : memref<64x512xf32, #tpu.memory_space<vmem>>) target_semaphore(%arg10 : memref<!tpu.dma_semaphore, #tpu.memory_space<semaphore_mem>>)
        } else {
        }
      }
      %scan3A_157 = arith.constant 12 : i32
    } else {
    }
    %ge3A = arith.constant 16 : i32
    %ge3A_6 = arith.cmpi sge, %add3A, %ge3A : i32
    %convert_element_type3A_7 = arith.extui %ge3A_6 : i1 to i32
    %cond3A_8 = arith.constant 0 : i32
    %cond3A_9 = arith.cmpi ne, %convert_element_type3A_7, %cond3A_8 : i32
    scf.if %cond3A_9 {
      %sub3A = arith.constant 16 : i32
      %sub3A_129 = arith.subi %add3A, %sub3A : i32
      %dma_start3A = arith.constant 0 : i32
      %dma_start3A_130 = arith.constant 0 : i32
      %dma_start3A_131 = arith.constant 0 : i32
      %dma_start3A_132 = tpu.memref_slice %arg3[%sub3A_129, %dma_start3A, %dma_start3A_130, %dma_start3A_131] : memref<16x3x512x512xf32, #tpu.memory_space<hbm>> -> memref<1x1x64x512xf32, #tpu.memory_space<hbm>>
      %dma_start3A_133 = tpu.memref_squeeze %dma_start3A_132 : memref<1x1x64x512xf32, #tpu.memory_space<hbm>> -> memref<64x512xf32, #tpu.memory_space<hbm>>
      %dma_start3A_134 = arith.constant 0 : i32
      %dma_start3A_135 = arith.constant 0 : i32
      %dma_start3A_136 = tpu.memref_slice %arg3[%sub3A_129, %dma_start3A, %dma_start3A_134, %dma_start3A_135] : memref<16x3x512x512xf32, #tpu.memory_space<hbm>> -> memref<1x1x64x512xf32, #tpu.memory_space<hbm>>
      %dma_start3A_137 = tpu.memref_squeeze %dma_start3A_136 : memref<1x1x64x512xf32, #tpu.memory_space<hbm>> -> memref<64x512xf32, #tpu.memory_space<hbm>>
      tpu.enqueue_dma source(%dma_start3A_137 : memref<64x512xf32, #tpu.memory_space<hbm>>) target(%arg5 : memref<64x512xf32, #tpu.memory_space<vmem>>) target_semaphore(%arg9 : memref<!tpu.dma_semaphore, #tpu.memory_space<semaphore_mem>>)
      %dma_start3A_138 = arith.constant 0 : i32
      %dma_start3A_139 = arith.constant 64 : i32
      %dma_start3A_140 = arith.constant 0 : i32
      %dma_start3A_141 = tpu.memref_slice %arg3[%sub3A_129, %dma_start3A_138, %dma_start3A_139, %dma_start3A_140] : memref<16x3x512x512xf32, #tpu.memory_space<hbm>> -> memref<1x1x64x512xf32, #tpu.memory_space<hbm>>
      %dma_start3A_142 = tpu.memref_squeeze %dma_start3A_141 : memref<1x1x64x512xf32, #tpu.memory_space<hbm>> -> memref<64x512xf32, #tpu.memory_space<hbm>>
      %dma_start3A_143 = arith.constant 64 : i32
      %dma_start3A_144 = arith.constant 0 : i32
      %dma_start3A_145 = tpu.memref_slice %arg3[%sub3A_129, %dma_start3A_138, %dma_start3A_143, %dma_start3A_144] : memref<16x3x512x512xf32, #tpu.memory_space<hbm>> -> memref<1x1x64x512xf32, #tpu.memory_space<hbm>>
      %dma_start3A_146 = tpu.memref_squeeze %dma_start3A_145 : memref<1x1x64x512xf32, #tpu.memory_space<hbm>> -> memref<64x512xf32, #tpu.memory_space<hbm>>
      tpu.enqueue_dma source(%dma_start3A_146 : memref<64x512xf32, #tpu.memory_space<hbm>>) target(%arg6 : memref<64x512xf32, #tpu.memory_space<vmem>>) target_semaphore(%arg10 : memref<!tpu.dma_semaphore, #tpu.memory_space<semaphore_mem>>)
      %scan3A_147 = arith.constant 0 : i32
      %scan3A_148 = arith.constant 0 : i32
      %scan3A_149 = arith.constant 192 : i32
      %scan3A_150 = arith.addi %scan3A_148, %scan3A_149 : i32
      %scan3A_151 = arith.constant 1 : i32
      scf.for %scan3A_159 = %scan3A_148 to %scan3A_150 step %scan3A_151  : i32 {
        %mul3A_160 = arith.constant 16 : i32
        %mul3A_161 = arith.muli %scan3A_159, %mul3A_160 : i32
        %swap3A = arith.index_cast %mul3A_161 : i32 to index
        %swap3A_162 = tpu.vector_load %arg7[%swap3A] {strides = array<i32>} : memref<3072xf32, #tpu.memory_space<vmem>>, vector<16xf32>,
        tpu.vector_store %arg7[%swap3A], %broadcast_in_dim3A_1 {strides = array<i32>} : memref<3072xf32, #tpu.memory_space<vmem>>, vector<16xf32>,
      }
      %scan3A_152 = arith.constant 192 : i32
      %scan3A_153 = arith.constant 0 : i32
      %scan3A_154 = arith.constant 0 : i32
      %scan3A_155 = arith.constant 12 : i32
      %scan3A_156 = arith.addi %scan3A_154, %scan3A_155 : i32
      %scan3A_157 = arith.constant 1 : i32
      scf.for %scan3A_159 = %scan3A_154 to %scan3A_156 step %scan3A_157  : i32 {
        %mul3A_160 = arith.constant 2 : i32
        %mul3A_161 = arith.muli %scan3A_159, %mul3A_160 : i32
        %add3A_162 = arith.constant 0 : i32
        %add3A_163 = arith.addi %mul3A_161, %add3A_162 : i32
        %jit3A = arith.constant 8 : i32
        %div3A = arith.divsi %add3A_163, %jit3A : i32
        %sign3A = arith.constant 0 : i32
        %sign3A_164 = arith.cmpi sgt, %add3A_163, %sign3A : i32
        %sign3A_165 = arith.extui %sign3A_164 : i1 to i32
        %sign3A_166 = arith.constant 0 : i32
        %sign3A_167 = arith.cmpi slt, %add3A_163, %sign3A_166 : i32
        %sign3A_168 = arith.extui %sign3A_167 : i1 to i32
        %sign3A_169 = arith.subi %sign3A_165, %sign3A_168 : i32
        %sign3A_170 = arith.constant 0 : i32
        %sign3A_171 = arith.cmpi sgt, %jit3A, %sign3A_170 : i32
        %sign3A_172 = arith.extui %sign3A_171 : i1 to i32
        %sign3A_173 = arith.constant 0 : i32
        %sign3A_174 = arith.cmpi slt, %jit3A, %sign3A_173 : i32
        %sign3A_175 = arith.extui %sign3A_174 : i1 to i32
        %sign3A_176 = arith.subi %sign3A_172, %sign3A_175 : i32
        %ne3A = arith.cmpi ne, %sign3A_169, %sign3A_176 : i32
        %rem3A = arith.remsi %add3A_163, %jit3A : i32
        %ne3A_177 = arith.constant 0 : i32
        %ne3A_178 = arith.cmpi ne, %rem3A, %ne3A_177 : i32
        %and3A_179 = arith.andi %ne3A, %ne3A_178 : i1
        %sub3A_180 = arith.constant 1 : i32
        %sub3A_181 = arith.subi %div3A, %sub3A_180 : i32
        %select_n3A = arith.select %and3A_179, %sub3A_181, %div3A : i32
        %dma_wait3A = arith.constant 0 : i32
        %dma_wait3A_182 = arith.constant 0 : i32
        %dma_wait3A_183 = arith.constant 0 : i32
        %dma_wait3A_184 = tpu.memref_slice %arg3[%sub3A_129, %dma_wait3A, %dma_wait3A_182, %dma_wait3A_183] : memref<16x3x512x512xf32, #tpu.memory_space<hbm>> -> memref<1x1x64x512xf32, #tpu.memory_space<hbm>>
        %dma_wait3A_185 = tpu.memref_squeeze %dma_wait3A_184 : memref<1x1x64x512xf32, #tpu.memory_space<hbm>> -> memref<64x512xf32, #tpu.memory_space<hbm>>
        %dma_wait3A_186 = arith.constant 0 : i32
        %dma_wait3A_187 = arith.constant 0 : i32
        %dma_wait3A_188 = tpu.memref_slice %arg3[%sub3A_129, %dma_wait3A, %dma_wait3A_186, %dma_wait3A_187] : memref<16x3x512x512xf32, #tpu.memory_space<hbm>> -> memref<1x1x64x512xf32, #tpu.memory_space<hbm>>
        %dma_wait3A_189 = tpu.memref_squeeze %dma_wait3A_188 : memref<1x1x64x512xf32, #tpu.memory_space<hbm>> -> memref<64x512xf32, #tpu.memory_space<hbm>>
        tpu.wait_dma2 semaphore(%arg9 : memref<!tpu.dma_semaphore, #tpu.memory_space<semaphore_mem>>) src(%dma_wait3A_189 : memref<64x512xf32, #tpu.memory_space<hbm>>) dst(%arg5 : memref<64x512xf32, #tpu.memory_space<vmem>>)
        %mul3A_190 = arith.constant 1024 : i32
        %mul3A_191 = arith.muli %select_n3A, %mul3A_190 : i32
        %add3A_192 = vector.broadcast %mul3A_191 : i32 to vector<16xi32>
        %add3A_193 = arith.addi %iota3A, %add3A_192 : vector<16xi32>
        %parallel_loop3A = arith.constant 0 : i32
        %parallel_loop3A_194 = arith.constant 2048 : i32
        %parallel_loop3A_195 = arith.constant 1 : i32
        scf.for %parallel_loop3A_254 = %parallel_loop3A to %parallel_loop3A_194 step %parallel_loop3A_195  : i32 {
          %parallel_loop3A_255 = arith.constant 5 : i32
          %parallel_loop3A_256 = arith.shrui %parallel_loop3A_254, %parallel_loop3A_255 : i32
          %parallel_loop3A_257 = arith.constant 31 : i32
          %parallel_loop3A_258 = arith.andi %parallel_loop3A_254, %parallel_loop3A_257 : i32
          %parallel_loop3A_259 = arith.constant 4 : i32
          %parallel_loop3A_260 = arith.shli %parallel_loop3A_258, %parallel_loop3A_259 : i32
          %parallel_loop3A_261 = arith.index_cast %parallel_loop3A_256 : i32 to index
          %parallel_loop3A_262 = arith.index_cast %parallel_loop3A_260 : i32 to index
          %parallel_loop3A_263 = tpu.vector_load %arg5[%parallel_loop3A_261, %parallel_loop3A_262] {strides = array<i32>} : memref<64x512xf32, #tpu.memory_space<vmem>>, vector<16xf32>,
          %parallel_loop3A_264 = arith.constant 1.000000e+00 : f32
          %parallel_loop3A_265 = vector.broadcast %parallel_loop3A_264 : f32 to vector<16xf32>
          %parallel_loop3A_266 = arith.addf %parallel_loop3A_263, %parallel_loop3A_265 : vector<16xf32>
          %parallel_loop3A_267 = vector.bitcast %parallel_loop3A_266 : vector<16xf32> to vector<16xi32>
          %parallel_loop3A_268 = arith.constant 13 : i32
          %parallel_loop3A_269 = vector.broadcast %parallel_loop3A_268 : i32 to vector<16xi32>
          %parallel_loop3A_270 = arith.shrsi %parallel_loop3A_267, %parallel_loop3A_269 : vector<16xi32>
          %parallel_loop3A_271 = arith.constant 1008 : i32
          %parallel_loop3A_272 = vector.broadcast %parallel_loop3A_271 : i32 to vector<16xi32>
          %parallel_loop3A_273 = arith.andi %parallel_loop3A_270, %parallel_loop3A_272 : vector<16xi32>
          %parallel_loop3A_274 = arith.addi %parallel_loop3A_273, %add3A_193 : vector<16xi32>
          tpu.vector_store_idx %arg7[%parallel_loop3A_274], %broadcast_in_dim3A_3 {add = true} : memref<3072xf32, #tpu.memory_space<vmem>>[vector<16xi32>], vector<16xf32>,
        } {sc.loop_unroll_factor = 16 : i64, sc.parallel_access}
        %add3A_196 = arith.constant 2 : i32
        %add3A_197 = arith.addi %add3A_163, %add3A_196 : i32
        %lt3A_198 = arith.constant 24 : i32
        %lt3A_199 = arith.cmpi slt, %add3A_197, %lt3A_198 : i32
        %convert_element_type3A_200 = arith.extui %lt3A_199 : i1 to i32
        %cond3A_201 = arith.constant 0 : i32
        %cond3A_202 = arith.cmpi ne, %convert_element_type3A_200, %cond3A_201 : i32
        scf.if %cond3A_202 {
          %jit3A_254 = arith.constant 8 : i32
          %div3A_255 = arith.divsi %add3A_197, %jit3A_254 : i32
          %sign3A_256 = arith.constant 0 : i32
          %sign3A_257 = arith.cmpi sgt, %add3A_197, %sign3A_256 : i32
          %sign3A_258 = arith.extui %sign3A_257 : i1 to i32
          %sign3A_259 = arith.constant 0 : i32
          %sign3A_260 = arith.cmpi slt, %add3A_197, %sign3A_259 : i32
          %sign3A_261 = arith.extui %sign3A_260 : i1 to i32
          %sign3A_262 = arith.subi %sign3A_258, %sign3A_261 : i32
          %sign3A_263 = arith.constant 0 : i32
          %sign3A_264 = arith.cmpi sgt, %jit3A_254, %sign3A_263 : i32
          %sign3A_265 = arith.extui %sign3A_264 : i1 to i32
          %sign3A_266 = arith.constant 0 : i32
          %sign3A_267 = arith.cmpi slt, %jit3A_254, %sign3A_266 : i32
          %sign3A_268 = arith.extui %sign3A_267 : i1 to i32
          %sign3A_269 = arith.subi %sign3A_265, %sign3A_268 : i32
          %ne3A_270 = arith.cmpi ne, %sign3A_262, %sign3A_269 : i32
          %rem3A_271 = arith.remsi %add3A_197, %jit3A_254 : i32
          %ne3A_272 = arith.constant 0 : i32
          %ne3A_273 = arith.cmpi ne, %rem3A_271, %ne3A_272 : i32
          %and3A_274 = arith.andi %ne3A_270, %ne3A_273 : i1
          %sub3A_275 = arith.constant 1 : i32
          %sub3A_276 = arith.subi %div3A_255, %sub3A_275 : i32
          %select_n3A_277 = arith.select %and3A_274, %sub3A_276, %div3A_255 : i32
          %mul3A_278 = arith.constant 8 : i32
          %mul3A_279 = arith.muli %select_n3A_277, %mul3A_278 : i32
          %sub3A_280 = arith.subi %add3A_197, %mul3A_279 : i32
          %mul3A_281 = arith.constant 64 : i32
          %mul3A_282 = arith.muli %sub3A_280, %mul3A_281 : i32
          %dma_start3A_283 = arith.constant 0 : i32
          %dma_start3A_284 = tpu.memref_slice %arg3[%sub3A_129, %select_n3A_277, %mul3A_282, %dma_start3A_283] : memref<16x3x512x512xf32, #tpu.memory_space<hbm>> -> memref<1x1x64x512xf32, #tpu.memory_space<hbm>>
          %dma_start3A_285 = tpu.memref_squeeze %dma_start3A_284 : memref<1x1x64x512xf32, #tpu.memory_space<hbm>> -> memref<64x512xf32, #tpu.memory_space<hbm>>
          %dma_start3A_286 = arith.constant 0 : i32
          %dma_start3A_287 = tpu.memref_slice %arg3[%sub3A_129, %select_n3A_277, %mul3A_282, %dma_start3A_286] : memref<16x3x512x512xf32, #tpu.memory_space<hbm>> -> memref<1x1x64x512xf32, #tpu.memory_space<hbm>>
          %dma_start3A_288 = tpu.memref_squeeze %dma_start3A_287 : memref<1x1x64x512xf32, #tpu.memory_space<hbm>> -> memref<64x512xf32, #tpu.memory_space<hbm>>
          tpu.enqueue_dma source(%dma_start3A_288 : memref<64x512xf32, #tpu.memory_space<hbm>>) target(%arg5 : memref<64x512xf32, #tpu.memory_space<vmem>>) target_semaphore(%arg9 : memref<!tpu.dma_semaphore, #tpu.memory_space<semaphore_mem>>)
        } else {
        }
        %mul3A_203 = arith.constant 2 : i32
        %mul3A_204 = arith.muli %scan3A_159, %mul3A_203 : i32
        %add3A_205 = arith.constant 1 : i32
        %add3A_206 = arith.addi %mul3A_204, %add3A_205 : i32
        %jit3A_207 = arith.constant 8 : i32
        %div3A_208 = arith.divsi %add3A_206, %jit3A_207 : i32
        %sign3A_209 = arith.constant 0 : i32
        %sign3A_210 = arith.cmpi sgt, %add3A_206, %sign3A_209 : i32
        %sign3A_211 = arith.extui %sign3A_210 : i1 to i32
        %sign3A_212 = arith.constant 0 : i32
        %sign3A_213 = arith.cmpi slt, %add3A_206, %sign3A_212 : i32
        %sign3A_214 = arith.extui %sign3A_213 : i1 to i32
        %sign3A_215 = arith.subi %sign3A_211, %sign3A_214 : i32
        %sign3A_216 = arith.constant 0 : i32
        %sign3A_217 = arith.cmpi sgt, %jit3A_207, %sign3A_216 : i32
        %sign3A_218 = arith.extui %sign3A_217 : i1 to i32
        %sign3A_219 = arith.constant 0 : i32
        %sign3A_220 = arith.cmpi slt, %jit3A_207, %sign3A_219 : i32
        %sign3A_221 = arith.extui %sign3A_220 : i1 to i32
        %sign3A_222 = arith.subi %sign3A_218, %sign3A_221 : i32
        %ne3A_223 = arith.cmpi ne, %sign3A_215, %sign3A_222 : i32
        %rem3A_224 = arith.remsi %add3A_206, %jit3A_207 : i32
        %ne3A_225 = arith.constant 0 : i32
        %ne3A_226 = arith.cmpi ne, %rem3A_224, %ne3A_225 : i32
        %and3A_227 = arith.andi %ne3A_223, %ne3A_226 : i1
        %sub3A_228 = arith.constant 1 : i32
        %sub3A_229 = arith.subi %div3A_208, %sub3A_228 : i32
        %select_n3A_230 = arith.select %and3A_227, %sub3A_229, %div3A_208 : i32
        %dma_wait3A_231 = arith.constant 0 : i32
        %dma_wait3A_232 = arith.constant 0 : i32
        %dma_wait3A_233 = arith.constant 0 : i32
        %dma_wait3A_234 = tpu.memref_slice %arg3[%sub3A_129, %dma_wait3A_231, %dma_wait3A_232, %dma_wait3A_233] : memref<16x3x512x512xf32, #tpu.memory_space<hbm>> -> memref<1x1x64x512xf32, #tpu.memory_space<hbm>>
        %dma_wait3A_235 = tpu.memref_squeeze %dma_wait3A_234 : memref<1x1x64x512xf32, #tpu.memory_space<hbm>> -> memref<64x512xf32, #tpu.memory_space<hbm>>
        %dma_wait3A_236 = arith.constant 0 : i32
        %dma_wait3A_237 = arith.constant 0 : i32
        %dma_wait3A_238 = tpu.memref_slice %arg3[%sub3A_129, %dma_wait3A_231, %dma_wait3A_236, %dma_wait3A_237] : memref<16x3x512x512xf32, #tpu.memory_space<hbm>> -> memref<1x1x64x512xf32, #tpu.memory_space<hbm>>
        %dma_wait3A_239 = tpu.memref_squeeze %dma_wait3A_238 : memref<1x1x64x512xf32, #tpu.memory_space<hbm>> -> memref<64x512xf32, #tpu.memory_space<hbm>>
        tpu.wait_dma2 semaphore(%arg10 : memref<!tpu.dma_semaphore, #tpu.memory_space<semaphore_mem>>) src(%dma_wait3A_239 : memref<64x512xf32, #tpu.memory_space<hbm>>) dst(%arg6 : memref<64x512xf32, #tpu.memory_space<vmem>>)
        %mul3A_240 = arith.constant 1024 : i32
        %mul3A_241 = arith.muli %select_n3A_230, %mul3A_240 : i32
        %add3A_242 = vector.broadcast %mul3A_241 : i32 to vector<16xi32>
        %add3A_243 = arith.addi %iota3A, %add3A_242 : vector<16xi32>
        %parallel_loop3A_244 = arith.constant 0 : i32
        %parallel_loop3A_245 = arith.constant 2048 : i32
        %parallel_loop3A_246 = arith.constant 1 : i32
        scf.for %parallel_loop3A_254 = %parallel_loop3A_244 to %parallel_loop3A_245 step %parallel_loop3A_246  : i32 {
          %parallel_loop3A_255 = arith.constant 5 : i32
          %parallel_loop3A_256 = arith.shrui %parallel_loop3A_254, %parallel_loop3A_255 : i32
          %parallel_loop3A_257 = arith.constant 31 : i32
          %parallel_loop3A_258 = arith.andi %parallel_loop3A_254, %parallel_loop3A_257 : i32
          %parallel_loop3A_259 = arith.constant 4 : i32
          %parallel_loop3A_260 = arith.shli %parallel_loop3A_258, %parallel_loop3A_259 : i32
          %parallel_loop3A_261 = arith.index_cast %parallel_loop3A_256 : i32 to index
          %parallel_loop3A_262 = arith.index_cast %parallel_loop3A_260 : i32 to index
          %parallel_loop3A_263 = tpu.vector_load %arg6[%parallel_loop3A_261, %parallel_loop3A_262] {strides = array<i32>} : memref<64x512xf32, #tpu.memory_space<vmem>>, vector<16xf32>,
          %parallel_loop3A_264 = arith.constant 1.000000e+00 : f32
          %parallel_loop3A_265 = vector.broadcast %parallel_loop3A_264 : f32 to vector<16xf32>
          %parallel_loop3A_266 = arith.addf %parallel_loop3A_263, %parallel_loop3A_265 : vector<16xf32>
          %parallel_loop3A_267 = vector.bitcast %parallel_loop3A_266 : vector<16xf32> to vector<16xi32>
          %parallel_loop3A_268 = arith.constant 13 : i32
          %parallel_loop3A_269 = vector.broadcast %parallel_loop3A_268 : i32 to vector<16xi32>
          %parallel_loop3A_270 = arith.shrsi %parallel_loop3A_267, %parallel_loop3A_269 : vector<16xi32>
          %parallel_loop3A_271 = arith.constant 1008 : i32
          %parallel_loop3A_272 = vector.broadcast %parallel_loop3A_271 : i32 to vector<16xi32>
          %parallel_loop3A_273 = arith.andi %parallel_loop3A_270, %parallel_loop3A_272 : vector<16xi32>
          %parallel_loop3A_274 = arith.addi %parallel_loop3A_273, %add3A_243 : vector<16xi32>
          tpu.vector_store_idx %arg7[%parallel_loop3A_274], %broadcast_in_dim3A_3 {add = true} : memref<3072xf32, #tpu.memory_space<vmem>>[vector<16xi32>], vector<16xf32>,
        } {sc.loop_unroll_factor = 16 : i64, sc.parallel_access}
        %add3A_247 = arith.constant 2 : i32
        %add3A_248 = arith.addi %add3A_206, %add3A_247 : i32
        %lt3A_249 = arith.constant 24 : i32
        %lt3A_250 = arith.cmpi slt, %add3A_248, %lt3A_249 : i32
        %convert_element_type3A_251 = arith.extui %lt3A_250 : i1 to i32
        %cond3A_252 = arith.constant 0 : i32
        %cond3A_253 = arith.cmpi ne, %convert_element_type3A_251, %cond3A_252 : i32
        scf.if %cond3A_253 {
          %jit3A_254 = arith.constant 8 : i32
          %div3A_255 = arith.divsi %add3A_248, %jit3A_254 : i32
          %sign3A_256 = arith.constant 0 : i32
          %sign3A_257 = arith.cmpi sgt, %add3A_248, %sign3A_256 : i32
          %sign3A_258 = arith.extui %sign3A_257 : i1 to i32
          %sign3A_259 = arith.constant 0 : i32
          %sign3A_260 = arith.cmpi slt, %add3A_248, %sign3A_259 : i32
          %sign3A_261 = arith.extui %sign3A_260 : i1 to i32
          %sign3A_262 = arith.subi %sign3A_258, %sign3A_261 : i32
          %sign3A_263 = arith.constant 0 : i32
          %sign3A_264 = arith.cmpi sgt, %jit3A_254, %sign3A_263 : i32
          %sign3A_265 = arith.extui %sign3A_264 : i1 to i32
          %sign3A_266 = arith.constant 0 : i32
          %sign3A_267 = arith.cmpi slt, %jit3A_254, %sign3A_266 : i32
          %sign3A_268 = arith.extui %sign3A_267 : i1 to i32
          %sign3A_269 = arith.subi %sign3A_265, %sign3A_268 : i32
          %ne3A_270 = arith.cmpi ne, %sign3A_262, %sign3A_269 : i32
          %rem3A_271 = arith.remsi %add3A_248, %jit3A_254 : i32
          %ne3A_272 = arith.constant 0 : i32
          %ne3A_273 = arith.cmpi ne, %rem3A_271, %ne3A_272 : i32
          %and3A_274 = arith.andi %ne3A_270, %ne3A_273 : i1
          %sub3A_275 = arith.constant 1 : i32
          %sub3A_276 = arith.subi %div3A_255, %sub3A_275 : i32
          %select_n3A_277 = arith.select %and3A_274, %sub3A_276, %div3A_255 : i32
          %mul3A_278 = arith.constant 8 : i32
          %mul3A_279 = arith.muli %select_n3A_277, %mul3A_278 : i32
          %sub3A_280 = arith.subi %add3A_248, %mul3A_279 : i32
          %mul3A_281 = arith.constant 64 : i32
          %mul3A_282 = arith.muli %sub3A_280, %mul3A_281 : i32
          %dma_start3A_283 = arith.constant 0 : i32
          %dma_start3A_284 = tpu.memref_slice %arg3[%sub3A_129, %select_n3A_277, %mul3A_282, %dma_start3A_283] : memref<16x3x512x512xf32, #tpu.memory_space<hbm>> -> memref<1x1x64x512xf32, #tpu.memory_space<hbm>>
          %dma_start3A_285 = tpu.memref_squeeze %dma_start3A_284 : memref<1x1x64x512xf32, #tpu.memory_space<hbm>> -> memref<64x512xf32, #tpu.memory_space<hbm>>
          %dma_start3A_286 = arith.constant 0 : i32
          %dma_start3A_287 = tpu.memref_slice %arg3[%sub3A_129, %select_n3A_277, %mul3A_282, %dma_start3A_286] : memref<16x3x512x512xf32, #tpu.memory_space<hbm>> -> memref<1x1x64x512xf32, #tpu.memory_space<hbm>>
          %dma_start3A_288 = tpu.memref_squeeze %dma_start3A_287 : memref<1x1x64x512xf32, #tpu.memory_space<hbm>> -> memref<64x512xf32, #tpu.memory_space<hbm>>
          tpu.enqueue_dma source(%dma_start3A_288 : memref<64x512xf32, #tpu.memory_space<hbm>>) target(%arg6 : memref<64x512xf32, #tpu.memory_space<vmem>>) target_semaphore(%arg10 : memref<!tpu.dma_semaphore, #tpu.memory_space<semaphore_mem>>)
        } else {
        }
      }
      %scan3A_158 = arith.constant 12 : i32
    } else {
    }
    %mul3A_10 = arith.constant 16 : i32
    %mul3A_11 = vector.broadcast %mul3A_10 : i32 to vector<16xi32>
    %mul3A_12 = arith.muli %iota3A, %mul3A_11 : vector<16xi32>
    %add3A_13 = arith.constant 0 : i32
    %add3A_14 = vector.broadcast %add3A_13 : i32 to vector<16xi32>
    %add3A_15 = arith.addi %iota3A, %add3A_14 : vector<16xi32>
    %and3A = arith.constant 15 : i32
    %and3A_16 = vector.broadcast %and3A : i32 to vector<16xi32>
    %and3A_17 = arith.andi %add3A_15, %and3A_16 : vector<16xi32>
    %add3A_18 = arith.addi %mul3A_12, %and3A_17 : vector<16xi32>
    %add3A_19 = arith.constant 1 : i32
    %add3A_20 = vector.broadcast %add3A_19 : i32 to vector<16xi32>
    %add3A_21 = arith.addi %iota3A, %add3A_20 : vector<16xi32>
    %and3A_22 = arith.constant 15 : i32
    %and3A_23 = vector.broadcast %and3A_22 : i32 to vector<16xi32>
    %and3A_24 = arith.andi %add3A_21, %and3A_23 : vector<16xi32>
    %add3A_25 = arith.addi %mul3A_12, %and3A_24 : vector<16xi32>
    %add3A_26 = arith.constant 2 : i32
    %add3A_27 = vector.broadcast %add3A_26 : i32 to vector<16xi32>
    %add3A_28 = arith.addi %iota3A, %add3A_27 : vector<16xi32>
    %and3A_29 = arith.constant 15 : i32
    %and3A_30 = vector.broadcast %and3A_29 : i32 to vector<16xi32>
    %and3A_31 = arith.andi %add3A_28, %and3A_30 : vector<16xi32>
    %add3A_32 = arith.addi %mul3A_12, %and3A_31 : vector<16xi32>
    %add3A_33 = arith.constant 3 : i32
    %add3A_34 = vector.broadcast %add3A_33 : i32 to vector<16xi32>
    %add3A_35 = arith.addi %iota3A, %add3A_34 : vector<16xi32>
    %and3A_36 = arith.constant 15 : i32
    %and3A_37 = vector.broadcast %and3A_36 : i32 to vector<16xi32>
    %and3A_38 = arith.andi %add3A_35, %and3A_37 : vector<16xi32>
    %add3A_39 = arith.addi %mul3A_12, %and3A_38 : vector<16xi32>
    %add3A_40 = arith.constant 4 : i32
    %add3A_41 = vector.broadcast %add3A_40 : i32 to vector<16xi32>
    %add3A_42 = arith.addi %iota3A, %add3A_41 : vector<16xi32>
    %and3A_43 = arith.constant 15 : i32
    %and3A_44 = vector.broadcast %and3A_43 : i32 to vector<16xi32>
    %and3A_45 = arith.andi %add3A_42, %and3A_44 : vector<16xi32>
    %add3A_46 = arith.addi %mul3A_12, %and3A_45 : vector<16xi32>
    %add3A_47 = arith.constant 5 : i32
    %add3A_48 = vector.broadcast %add3A_47 : i32 to vector<16xi32>
    %add3A_49 = arith.addi %iota3A, %add3A_48 : vector<16xi32>
    %and3A_50 = arith.constant 15 : i32
    %and3A_51 = vector.broadcast %and3A_50 : i32 to vector<16xi32>
    %and3A_52 = arith.andi %add3A_49, %and3A_51 : vector<16xi32>
    %add3A_53 = arith.addi %mul3A_12, %and3A_52 : vector<16xi32>
    %add3A_54 = arith.constant 6 : i32
    %add3A_55 = vector.broadcast %add3A_54 : i32 to vector<16xi32>
    %add3A_56 = arith.addi %iota3A, %add3A_55 : vector<16xi32>
    %and3A_57 = arith.constant 15 : i32
    %and3A_58 = vector.broadcast %and3A_57 : i32 to vector<16xi32>
    %and3A_59 = arith.andi %add3A_56, %and3A_58 : vector<16xi32>
    %add3A_60 = arith.addi %mul3A_12, %and3A_59 : vector<16xi32>
    %add3A_61 = arith.constant 7 : i32
    %add3A_62 = vector.broadcast %add3A_61 : i32 to vector<16xi32>
    %add3A_63 = arith.addi %iota3A, %add3A_62 : vector<16xi32>
    %and3A_64 = arith.constant 15 : i32
    %and3A_65 = vector.broadcast %and3A_64 : i32 to vector<16xi32>
    %and3A_66 = arith.andi %add3A_63, %and3A_65 : vector<16xi32>
    %add3A_67 = arith.addi %mul3A_12, %and3A_66 : vector<16xi32>
    %add3A_68 = arith.constant 8 : i32
    %add3A_69 = vector.broadcast %add3A_68 : i32 to vector<16xi32>
    %add3A_70 = arith.addi %iota3A, %add3A_69 : vector<16xi32>
    %and3A_71 = arith.constant 15 : i32
    %and3A_72 = vector.broadcast %and3A_71 : i32 to vector<16xi32>
    %and3A_73 = arith.andi %add3A_70, %and3A_72 : vector<16xi32>
    %add3A_74 = arith.addi %mul3A_12, %and3A_73 : vector<16xi32>
    %add3A_75 = arith.constant 9 : i32
    %add3A_76 = vector.broadcast %add3A_75 : i32 to vector<16xi32>
    %add3A_77 = arith.addi %iota3A, %add3A_76 : vector<16xi32>
    %and3A_78 = arith.constant 15 : i32
    %and3A_79 = vector.broadcast %and3A_78 : i32 to vector<16xi32>
    %and3A_80 = arith.andi %add3A_77, %and3A_79 : vector<16xi32>
    %add3A_81 = arith.addi %mul3A_12, %and3A_80 : vector<16xi32>
    %add3A_82 = arith.constant 10 : i32
    %add3A_83 = vector.broadcast %add3A_82 : i32 to vector<16xi32>
    %add3A_84 = arith.addi %iota3A, %add3A_83 : vector<16xi32>
    %and3A_85 = arith.constant 15 : i32
    %and3A_86 = vector.broadcast %and3A_85 : i32 to vector<16xi32>
    %and3A_87 = arith.andi %add3A_84, %and3A_86 : vector<16xi32>
    %add3A_88 = arith.addi %mul3A_12, %and3A_87 : vector<16xi32>
    %add3A_89 = arith.constant 11 : i32
    %add3A_90 = vector.broadcast %add3A_89 : i32 to vector<16xi32>
    %add3A_91 = arith.addi %iota3A, %add3A_90 : vector<16xi32>
    %and3A_92 = arith.constant 15 : i32
    %and3A_93 = vector.broadcast %and3A_92 : i32 to vector<16xi32>
    %and3A_94 = arith.andi %add3A_91, %and3A_93 : vector<16xi32>
    %add3A_95 = arith.addi %mul3A_12, %and3A_94 : vector<16xi32>
    %add3A_96 = arith.constant 12 : i32
    %add3A_97 = vector.broadcast %add3A_96 : i32 to vector<16xi32>
    %add3A_98 = arith.addi %iota3A, %add3A_97 : vector<16xi32>
    %and3A_99 = arith.constant 15 : i32
    %and3A_100 = vector.broadcast %and3A_99 : i32 to vector<16xi32>
    %and3A_101 = arith.andi %add3A_98, %and3A_100 : vector<16xi32>
    %add3A_102 = arith.addi %mul3A_12, %and3A_101 : vector<16xi32>
    %add3A_103 = arith.constant 13 : i32
    %add3A_104 = vector.broadcast %add3A_103 : i32 to vector<16xi32>
    %add3A_105 = arith.addi %iota3A, %add3A_104 : vector<16xi32>
    %and3A_106 = arith.constant 15 : i32
    %and3A_107 = vector.broadcast %and3A_106 : i32 to vector<16xi32>
    %and3A_108 = arith.andi %add3A_105, %and3A_107 : vector<16xi32>
    %add3A_109 = arith.addi %mul3A_12, %and3A_108 : vector<16xi32>
    %add3A_110 = arith.constant 14 : i32
    %add3A_111 = vector.broadcast %add3A_110 : i32 to vector<16xi32>
    %add3A_112 = arith.addi %iota3A, %add3A_111 : vector<16xi32>
    %and3A_113 = arith.constant 15 : i32
    %and3A_114 = vector.broadcast %and3A_113 : i32 to vector<16xi32>
    %and3A_115 = arith.andi %add3A_112, %and3A_114 : vector<16xi32>
    %add3A_116 = arith.addi %mul3A_12, %and3A_115 : vector<16xi32>
    %add3A_117 = arith.constant 15 : i32
    %add3A_118 = vector.broadcast %add3A_117 : i32 to vector<16xi32>
    %add3A_119 = arith.addi %iota3A, %add3A_118 : vector<16xi32>
    %and3A_120 = arith.constant 15 : i32
    %and3A_121 = vector.broadcast %and3A_120 : i32 to vector<16xi32>
    %and3A_122 = arith.andi %add3A_119, %and3A_121 : vector<16xi32>
    %add3A_123 = arith.addi %mul3A_12, %and3A_122 : vector<16xi32>
    %scan3A = arith.constant 0 : i32
    %scan3A_124 = arith.constant 0 : i32
    %scan3A_125 = arith.constant 12 : i32
    %scan3A_126 = arith.addi %scan3A_124, %scan3A_125 : i32
    %scan3A_127 = arith.constant 1 : i32
    scf.for %scan3A_129 = %scan3A_124 to %scan3A_126 step %scan3A_127  : i32 {
      %mul3A_130 = arith.constant 256 : i32
      %mul3A_131 = arith.muli %scan3A_129, %mul3A_130 : i32
      %broadcast_in_dim3A_132 = arith.constant 0.000000e+00 : f32
      %broadcast_in_dim3A_133 = vector.broadcast %broadcast_in_dim3A_132 : f32 to vector<16xf32>
      %add3A_134 = vector.broadcast %mul3A_131 : i32 to vector<16xi32>
      %add3A_135 = arith.addi %add3A_134, %add3A_18 : vector<16xi32>
      %gather3A = tpu.vector_load_idx %arg7[%add3A_135] : memref<3072xf32, #tpu.memory_space<vmem>>[vector<16xi32>], vector<16xf32>,
      %add3A_136 = arith.addf %broadcast_in_dim3A_133, %gather3A : vector<16xf32>
      %add3A_137 = vector.broadcast %mul3A_131 : i32 to vector<16xi32>
      %add3A_138 = arith.addi %add3A_137, %add3A_25 : vector<16xi32>
      %gather3A_139 = tpu.vector_load_idx %arg7[%add3A_138] : memref<3072xf32, #tpu.memory_space<vmem>>[vector<16xi32>], vector<16xf32>,
      %add3A_140 = arith.addf %add3A_136, %gather3A_139 : vector<16xf32>
      %add3A_141 = vector.broadcast %mul3A_131 : i32 to vector<16xi32>
      %add3A_142 = arith.addi %add3A_141, %add3A_32 : vector<16xi32>
      %gather3A_143 = tpu.vector_load_idx %arg7[%add3A_142] : memref<3072xf32, #tpu.memory_space<vmem>>[vector<16xi32>], vector<16xf32>,
      %add3A_144 = arith.addf %add3A_140, %gather3A_143 : vector<16xf32>
      %add3A_145 = vector.broadcast %mul3A_131 : i32 to vector<16xi32>
      %add3A_146 = arith.addi %add3A_145, %add3A_39 : vector<16xi32>
      %gather3A_147 = tpu.vector_load_idx %arg7[%add3A_146] : memref<3072xf32, #tpu.memory_space<vmem>>[vector<16xi32>], vector<16xf32>,
      %add3A_148 = arith.addf %add3A_144, %gather3A_147 : vector<16xf32>
      %add3A_149 = vector.broadcast %mul3A_131 : i32 to vector<16xi32>
      %add3A_150 = arith.addi %add3A_149, %add3A_46 : vector<16xi32>
      %gather3A_151 = tpu.vector_load_idx %arg7[%add3A_150] : memref<3072xf32, #tpu.memory_space<vmem>>[vector<16xi32>], vector<16xf32>,
      %add3A_152 = arith.addf %add3A_148, %gather3A_151 : vector<16xf32>
      %add3A_153 = vector.broadcast %mul3A_131 : i32 to vector<16xi32>
      %add3A_154 = arith.addi %add3A_153, %add3A_53 : vector<16xi32>
      %gather3A_155 = tpu.vector_load_idx %arg7[%add3A_154] : memref<3072xf32, #tpu.memory_space<vmem>>[vector<16xi32>], vector<16xf32>,
      %add3A_156 = arith.addf %add3A_152, %gather3A_155 : vector<16xf32>
      %add3A_157 = vector.broadcast %mul3A_131 : i32 to vector<16xi32>
      %add3A_158 = arith.addi %add3A_157, %add3A_60 : vector<16xi32>
      %gather3A_159 = tpu.vector_load_idx %arg7[%add3A_158] : memref<3072xf32, #tpu.memory_space<vmem>>[vector<16xi32>], vector<16xf32>,
      %add3A_160 = arith.addf %add3A_156, %gather3A_159 : vector<16xf32>
      %add3A_161 = vector.broadcast %mul3A_131 : i32 to vector<16xi32>
      %add3A_162 = arith.addi %add3A_161, %add3A_67 : vector<16xi32>
      %gather3A_163 = tpu.vector_load_idx %arg7[%add3A_162] : memref<3072xf32, #tpu.memory_space<vmem>>[vector<16xi32>], vector<16xf32>,
      %add3A_164 = arith.addf %add3A_160, %gather3A_163 : vector<16xf32>
      %add3A_165 = vector.broadcast %mul3A_131 : i32 to vector<16xi32>
      %add3A_166 = arith.addi %add3A_165, %add3A_74 : vector<16xi32>
      %gather3A_167 = tpu.vector_load_idx %arg7[%add3A_166] : memref<3072xf32, #tpu.memory_space<vmem>>[vector<16xi32>], vector<16xf32>,
      %add3A_168 = arith.addf %add3A_164, %gather3A_167 : vector<16xf32>
      %add3A_169 = vector.broadcast %mul3A_131 : i32 to vector<16xi32>
      %add3A_170 = arith.addi %add3A_169, %add3A_81 : vector<16xi32>
      %gather3A_171 = tpu.vector_load_idx %arg7[%add3A_170] : memref<3072xf32, #tpu.memory_space<vmem>>[vector<16xi32>], vector<16xf32>,
      %add3A_172 = arith.addf %add3A_168, %gather3A_171 : vector<16xf32>
      %add3A_173 = vector.broadcast %mul3A_131 : i32 to vector<16xi32>
      %add3A_174 = arith.addi %add3A_173, %add3A_88 : vector<16xi32>
      %gather3A_175 = tpu.vector_load_idx %arg7[%add3A_174] : memref<3072xf32, #tpu.memory_space<vmem>>[vector<16xi32>], vector<16xf32>,
      %add3A_176 = arith.addf %add3A_172, %gather3A_175 : vector<16xf32>
      %add3A_177 = vector.broadcast %mul3A_131 : i32 to vector<16xi32>
      %add3A_178 = arith.addi %add3A_177, %add3A_95 : vector<16xi32>
      %gather3A_179 = tpu.vector_load_idx %arg7[%add3A_178] : memref<3072xf32, #tpu.memory_space<vmem>>[vector<16xi32>], vector<16xf32>,
      %add3A_180 = arith.addf %add3A_176, %gather3A_179 : vector<16xf32>
      %add3A_181 = vector.broadcast %mul3A_131 : i32 to vector<16xi32>
      %add3A_182 = arith.addi %add3A_181, %add3A_102 : vector<16xi32>
      %gather3A_183 = tpu.vector_load_idx %arg7[%add3A_182] : memref<3072xf32, #tpu.memory_space<vmem>>[vector<16xi32>], vector<16xf32>,
      %add3A_184 = arith.addf %add3A_180, %gather3A_183 : vector<16xf32>
      %add3A_185 = vector.broadcast %mul3A_131 : i32 to vector<16xi32>
      %add3A_186 = arith.addi %add3A_185, %add3A_109 : vector<16xi32>
      %gather3A_187 = tpu.vector_load_idx %arg7[%add3A_186] : memref<3072xf32, #tpu.memory_space<vmem>>[vector<16xi32>], vector<16xf32>,
      %add3A_188 = arith.addf %add3A_184, %gather3A_187 : vector<16xf32>
      %add3A_189 = vector.broadcast %mul3A_131 : i32 to vector<16xi32>
      %add3A_190 = arith.addi %add3A_189, %add3A_116 : vector<16xi32>
      %gather3A_191 = tpu.vector_load_idx %arg7[%add3A_190] : memref<3072xf32, #tpu.memory_space<vmem>>[vector<16xi32>], vector<16xf32>,
      %add3A_192 = arith.addf %add3A_188, %gather3A_191 : vector<16xf32>
      %add3A_193 = vector.broadcast %mul3A_131 : i32 to vector<16xi32>
      %add3A_194 = arith.addi %add3A_193, %add3A_123 : vector<16xi32>
      %gather3A_195 = tpu.vector_load_idx %arg7[%add3A_194] : memref<3072xf32, #tpu.memory_space<vmem>>[vector<16xi32>], vector<16xf32>,
      %add3A_196 = arith.addf %add3A_192, %gather3A_195 : vector<16xf32>
      %mul3A_197 = arith.constant 16 : i32
      %mul3A_198 = arith.muli %scan3A_129, %mul3A_197 : i32
      %swap3A = arith.index_cast %mul3A_198 : i32 to index
      %swap3A_199 = tpu.vector_load %arg8[%swap3A] {strides = array<i32>} : memref<192xf32, #tpu.memory_space<vmem>>, vector<16xf32>,
      tpu.vector_store %arg8[%swap3A], %add3A_196 {strides = array<i32>} : memref<192xf32, #tpu.memory_space<vmem>>, vector<16xf32>,
    }
    %scan3A_128 = arith.constant 12 : i32
    "tpu.region"() ({
      %run_scoped3A = tpu.sem_alloc : memref<!tpu.dma_semaphore, #tpu.memory_space<semaphore_mem>>
      %dma_start3A = arith.constant 0 : i32
      %dma_start3A_129 = tpu.memref_slice %arg4[%add3A, %dma_start3A] : memref<32x192xf32, #tpu.memory_space<hbm>> -> memref<1x192xf32, #tpu.memory_space<hbm>>
      %dma_start3A_130 = tpu.memref_squeeze %dma_start3A_129 : memref<1x192xf32, #tpu.memory_space<hbm>> -> memref<192xf32, #tpu.memory_space<hbm>>
      %dma_start3A_131 = arith.constant 0 : i32
      %dma_start3A_132 = tpu.memref_slice %arg4[%add3A, %dma_start3A_131] : memref<32x192xf32, #tpu.memory_space<hbm>> -> memref<1x192xf32, #tpu.memory_space<hbm>>
      %dma_start3A_133 = tpu.memref_squeeze %dma_start3A_132 : memref<1x192xf32, #tpu.memory_space<hbm>> -> memref<192xf32, #tpu.memory_space<hbm>>
      tpu.enqueue_dma source(%arg8 : memref<192xf32, #tpu.memory_space<vmem>>) target(%dma_start3A_133 : memref<192xf32, #tpu.memory_space<hbm>>) target_semaphore(%run_scoped3A : memref<!tpu.dma_semaphore, #tpu.memory_space<semaphore_mem>>)
      %dma_wait3A = arith.constant 0 : i32
      %dma_wait3A_134 = tpu.memref_slice %arg4[%add3A, %dma_wait3A] : memref<32x192xf32, #tpu.memory_space<hbm>> -> memref<1x192xf32, #tpu.memory_space<hbm>>
      %dma_wait3A_135 = tpu.memref_squeeze %dma_wait3A_134 : memref<1x192xf32, #tpu.memory_space<hbm>> -> memref<192xf32, #tpu.memory_space<hbm>>
      %dma_wait3A_136 = arith.constant 0 : i32
      %dma_wait3A_137 = tpu.memref_slice %arg4[%add3A, %dma_wait3A_136] : memref<32x192xf32, #tpu.memory_space<hbm>> -> memref<1x192xf32, #tpu.memory_space<hbm>>
      %dma_wait3A_138 = tpu.memref_squeeze %dma_wait3A_137 : memref<1x192xf32, #tpu.memory_space<hbm>> -> memref<192xf32, #tpu.memory_space<hbm>>
      tpu.wait_dma2 semaphore(%run_scoped3A : memref<!tpu.dma_semaphore, #tpu.memory_space<semaphore_mem>>) src(%arg8 : memref<192xf32, #tpu.memory_space<vmem>>) dst(%dma_wait3A_138 : memref<192xf32, #tpu.memory_space<hbm>>)
      tpu.yield
    }) : () -> ()
    return
  }
}

module attributes {stable_mosaic.version = 14 : i64} {
  func.func @body(%arg0: memref<32x192xf32, #tpu.memory_space<vmem>>, %arg1: memref<1x1xf32, #tpu.memory_space<smem>>) attributes {dimension_semantics = [], scalar_prefetch = 0 : i64, scratch_operands = 0 : i64, tpu.core_type = #tpu.core_type<tc>} {
    %get3A = arith.constant 0 : index
    %get3A_0 = arith.constant 0 : index
    %get3A_1 = vector.load %arg0[%get3A, %get3A_0] : memref<32x192xf32, #tpu.memory_space<vmem>>, vector<32x192xf32>
    %slice3A = vector.extract_strided_slice %get3A_1 {offsets = [0, 0], sizes = [16, 192], strides = [1, 1]} : vector<32x192xf32> to vector<16x192xf32>
    %reduce_sum3A = arith.constant dense<0.000000e+00> : vector<192xf32>
    %reduce_sum3A_2 = vector.multi_reduction <add>, %slice3A, %reduce_sum3A [0] : vector<16x192xf32> to vector<192xf32>
    %broadcast_in_dim3A = vector.shape_cast %reduce_sum3A_2 : vector<192xf32> to vector<1x192xf32>
    %slice3A_3 = vector.extract_strided_slice %get3A_1 {offsets = [16, 0], sizes = [16, 192], strides = [1, 1]} : vector<32x192xf32> to vector<16x192xf32>
    %reduce_sum3A_4 = arith.constant dense<0.000000e+00> : vector<192xf32>
    %reduce_sum3A_5 = vector.multi_reduction <add>, %slice3A_3, %reduce_sum3A_4 [0] : vector<16x192xf32> to vector<192xf32>
    %broadcast_in_dim3A_6 = vector.shape_cast %reduce_sum3A_5 : vector<192xf32> to vector<1x192xf32>
    %iota3A = tpu.iota {dimensions = array<i32: 1>} : vector<1x192xi32>
    %jit3A = arith.constant 64 : i32
    %div3A = vector.broadcast %jit3A : i32 to vector<1x192xi32>
    %div3A_7 = arith.divsi %iota3A, %div3A : vector<1x192xi32>
    %sign3A = arith.constant 0 : i32
    %sign3A_8 = vector.broadcast %sign3A : i32 to vector<1x192xi32>
    %sign3A_9 = arith.cmpi sgt, %iota3A, %sign3A_8 : vector<1x192xi32>
    %sign3A_10 = arith.extui %sign3A_9 : vector<1x192xi1> to vector<1x192xi32>
    %sign3A_11 = arith.constant 0 : i32
    %sign3A_12 = vector.broadcast %sign3A_11 : i32 to vector<1x192xi32>
    %sign3A_13 = arith.cmpi slt, %iota3A, %sign3A_12 : vector<1x192xi32>
    %sign3A_14 = arith.extui %sign3A_13 : vector<1x192xi1> to vector<1x192xi32>
    %sign3A_15 = arith.subi %sign3A_10, %sign3A_14 : vector<1x192xi32>
    %sign3A_16 = arith.constant 0 : i32
    %sign3A_17 = arith.cmpi sgt, %jit3A, %sign3A_16 : i32
    %sign3A_18 = arith.extui %sign3A_17 : i1 to i32
    %sign3A_19 = arith.constant 0 : i32
    %sign3A_20 = arith.cmpi slt, %jit3A, %sign3A_19 : i32
    %sign3A_21 = arith.extui %sign3A_20 : i1 to i32
    %sign3A_22 = arith.subi %sign3A_18, %sign3A_21 : i32
    %ne3A = vector.broadcast %sign3A_22 : i32 to vector<1x192xi32>
    %ne3A_23 = arith.cmpi ne, %sign3A_15, %ne3A : vector<1x192xi32>
    %rem3A = vector.broadcast %jit3A : i32 to vector<1x192xi32>
    %rem3A_24 = arith.remsi %iota3A, %rem3A : vector<1x192xi32>
    %ne3A_25 = arith.constant 0 : i32
    %ne3A_26 = vector.broadcast %ne3A_25 : i32 to vector<1x192xi32>
    %ne3A_27 = arith.cmpi ne, %rem3A_24, %ne3A_26 : vector<1x192xi32>
    %and3A = arith.andi %ne3A_23, %ne3A_27 : vector<1x192xi1>
    %sub3A = arith.constant 1 : i32
    %sub3A_28 = vector.broadcast %sub3A : i32 to vector<1x192xi32>
    %sub3A_29 = arith.subi %div3A_7, %sub3A_28 : vector<1x192xi32>
    %select_n3A = arith.select %and3A, %sub3A_29, %div3A_7 : vector<1x192xi1>, vector<1x192xi32>
    %broadcast_in_dim3A_30 = arith.constant 0.000000e+00 : f32
    %broadcast_in_dim3A_31 = vector.broadcast %broadcast_in_dim3A_30 : f32 to vector<1x192xf32>
    %broadcast_in_dim3A_32 = arith.constant 0.000000e+00 : f32
    %broadcast_in_dim3A_33 = vector.broadcast %broadcast_in_dim3A_32 : f32 to vector<1x192xf32>
    %eq3A = arith.constant 0 : i32
    %eq3A_34 = vector.broadcast %eq3A : i32 to vector<1x192xi32>
    %eq3A_35 = arith.cmpi eq, %select_n3A, %eq3A_34 : vector<1x192xi32>
    %jit3A_36 = arith.constant 0.000000e+00 : f32
    %broadcast_in_dim3A_37 = vector.broadcast %jit3A_36 : f32 to vector<1x192xf32>
    %select_n3A_38 = arith.select %eq3A_35, %broadcast_in_dim3A, %broadcast_in_dim3A_37 : vector<1x192xi1>, vector<1x192xf32>
    %reduce_sum3A_39 = vector.shape_cast %select_n3A_38 : vector<1x192xf32> to vector<1x1x192xf32>
    %reduce_sum3A_40 = arith.constant dense<0.000000e+00> : vector<1xf32>
    %reduce_sum3A_41 = vector.multi_reduction <add>, %reduce_sum3A_39, %reduce_sum3A_40 [1, 2] : vector<1x1x192xf32> to vector<1xf32>
    %reduce_sum3A_42 = vector.shape_cast %reduce_sum3A_41 : vector<1xf32> to vector<1x1x1xf32>
    %reduce_sum3A_43 = vector.extract %reduce_sum3A_42[0, 0, 0] : f32 from vector<1x1x1xf32>
    %jit3A_44 = arith.constant 0.000000e+00 : f32
    %broadcast_in_dim3A_45 = vector.broadcast %jit3A_44 : f32 to vector<1x192xf32>
    %select_n3A_46 = arith.select %eq3A_35, %broadcast_in_dim3A_6, %broadcast_in_dim3A_45 : vector<1x192xi1>, vector<1x192xf32>
    %reduce_sum3A_47 = vector.shape_cast %select_n3A_46 : vector<1x192xf32> to vector<1x1x192xf32>
    %reduce_sum3A_48 = arith.constant dense<0.000000e+00> : vector<1xf32>
    %reduce_sum3A_49 = vector.multi_reduction <add>, %reduce_sum3A_47, %reduce_sum3A_48 [1, 2] : vector<1x1x192xf32> to vector<1xf32>
    %reduce_sum3A_50 = vector.shape_cast %reduce_sum3A_49 : vector<1xf32> to vector<1x1x1xf32>
    %reduce_sum3A_51 = vector.extract %reduce_sum3A_50[0, 0, 0] : f32 from vector<1x1x1xf32>
    %broadcast_in_dim3A_52 = vector.broadcast %reduce_sum3A_43 : f32 to vector<1x192xf32>
    %select_n3A_53 = arith.select %eq3A_35, %broadcast_in_dim3A_52, %broadcast_in_dim3A_31 : vector<1x192xi1>, vector<1x192xf32>
    %broadcast_in_dim3A_54 = vector.broadcast %reduce_sum3A_51 : f32 to vector<1x192xf32>
    %select_n3A_55 = arith.select %eq3A_35, %broadcast_in_dim3A_54, %broadcast_in_dim3A_33 : vector<1x192xi1>, vector<1x192xf32>
    %eq3A_56 = arith.constant 1 : i32
    %eq3A_57 = vector.broadcast %eq3A_56 : i32 to vector<1x192xi32>
    %eq3A_58 = arith.cmpi eq, %select_n3A, %eq3A_57 : vector<1x192xi32>
    %jit3A_59 = arith.constant 0.000000e+00 : f32
    %broadcast_in_dim3A_60 = vector.broadcast %jit3A_59 : f32 to vector<1x192xf32>
    %select_n3A_61 = arith.select %eq3A_58, %broadcast_in_dim3A, %broadcast_in_dim3A_60 : vector<1x192xi1>, vector<1x192xf32>
    %reduce_sum3A_62 = vector.shape_cast %select_n3A_61 : vector<1x192xf32> to vector<1x1x192xf32>
    %reduce_sum3A_63 = arith.constant dense<0.000000e+00> : vector<1xf32>
    %reduce_sum3A_64 = vector.multi_reduction <add>, %reduce_sum3A_62, %reduce_sum3A_63 [1, 2] : vector<1x1x192xf32> to vector<1xf32>
    %reduce_sum3A_65 = vector.shape_cast %reduce_sum3A_64 : vector<1xf32> to vector<1x1x1xf32>
    %reduce_sum3A_66 = vector.extract %reduce_sum3A_65[0, 0, 0] : f32 from vector<1x1x1xf32>
    %jit3A_67 = arith.constant 0.000000e+00 : f32
    %broadcast_in_dim3A_68 = vector.broadcast %jit3A_67 : f32 to vector<1x192xf32>
    %select_n3A_69 = arith.select %eq3A_58, %broadcast_in_dim3A_6, %broadcast_in_dim3A_68 : vector<1x192xi1>, vector<1x192xf32>
    %reduce_sum3A_70 = vector.shape_cast %select_n3A_69 : vector<1x192xf32> to vector<1x1x192xf32>
    %reduce_sum3A_71 = arith.constant dense<0.000000e+00> : vector<1xf32>
    %reduce_sum3A_72 = vector.multi_reduction <add>, %reduce_sum3A_70, %reduce_sum3A_71 [1, 2] : vector<1x1x192xf32> to vector<1xf32>
    %reduce_sum3A_73 = vector.shape_cast %reduce_sum3A_72 : vector<1xf32> to vector<1x1x1xf32>
    %reduce_sum3A_74 = vector.extract %reduce_sum3A_73[0, 0, 0] : f32 from vector<1x1x1xf32>
    %broadcast_in_dim3A_75 = vector.broadcast %reduce_sum3A_66 : f32 to vector<1x192xf32>
    %select_n3A_76 = arith.select %eq3A_58, %broadcast_in_dim3A_75, %select_n3A_53 : vector<1x192xi1>, vector<1x192xf32>
    %broadcast_in_dim3A_77 = vector.broadcast %reduce_sum3A_74 : f32 to vector<1x192xf32>
    %select_n3A_78 = arith.select %eq3A_58, %broadcast_in_dim3A_77, %select_n3A_55 : vector<1x192xi1>, vector<1x192xf32>
    %eq3A_79 = arith.constant 2 : i32
    %eq3A_80 = vector.broadcast %eq3A_79 : i32 to vector<1x192xi32>
    %eq3A_81 = arith.cmpi eq, %select_n3A, %eq3A_80 : vector<1x192xi32>
    %jit3A_82 = arith.constant 0.000000e+00 : f32
    %broadcast_in_dim3A_83 = vector.broadcast %jit3A_82 : f32 to vector<1x192xf32>
    %select_n3A_84 = arith.select %eq3A_81, %broadcast_in_dim3A, %broadcast_in_dim3A_83 : vector<1x192xi1>, vector<1x192xf32>
    %reduce_sum3A_85 = vector.shape_cast %select_n3A_84 : vector<1x192xf32> to vector<1x1x192xf32>
    %reduce_sum3A_86 = arith.constant dense<0.000000e+00> : vector<1xf32>
    %reduce_sum3A_87 = vector.multi_reduction <add>, %reduce_sum3A_85, %reduce_sum3A_86 [1, 2] : vector<1x1x192xf32> to vector<1xf32>
    %reduce_sum3A_88 = vector.shape_cast %reduce_sum3A_87 : vector<1xf32> to vector<1x1x1xf32>
    %reduce_sum3A_89 = vector.extract %reduce_sum3A_88[0, 0, 0] : f32 from vector<1x1x1xf32>
    %jit3A_90 = arith.constant 0.000000e+00 : f32
    %broadcast_in_dim3A_91 = vector.broadcast %jit3A_90 : f32 to vector<1x192xf32>
    %select_n3A_92 = arith.select %eq3A_81, %broadcast_in_dim3A_6, %broadcast_in_dim3A_91 : vector<1x192xi1>, vector<1x192xf32>
    %reduce_sum3A_93 = vector.shape_cast %select_n3A_92 : vector<1x192xf32> to vector<1x1x192xf32>
    %reduce_sum3A_94 = arith.constant dense<0.000000e+00> : vector<1xf32>
    %reduce_sum3A_95 = vector.multi_reduction <add>, %reduce_sum3A_93, %reduce_sum3A_94 [1, 2] : vector<1x1x192xf32> to vector<1xf32>
    %reduce_sum3A_96 = vector.shape_cast %reduce_sum3A_95 : vector<1xf32> to vector<1x1x1xf32>
    %reduce_sum3A_97 = vector.extract %reduce_sum3A_96[0, 0, 0] : f32 from vector<1x1x1xf32>
    %broadcast_in_dim3A_98 = vector.broadcast %reduce_sum3A_89 : f32 to vector<1x192xf32>
    %select_n3A_99 = arith.select %eq3A_81, %broadcast_in_dim3A_98, %select_n3A_76 : vector<1x192xi1>, vector<1x192xf32>
    %broadcast_in_dim3A_100 = vector.broadcast %reduce_sum3A_97 : f32 to vector<1x192xf32>
    %select_n3A_101 = arith.select %eq3A_81, %broadcast_in_dim3A_100, %select_n3A_78 : vector<1x192xi1>, vector<1x192xf32>
    %add3A = arith.constant 1.000000e-07 : f32
    %add3A_102 = vector.broadcast %add3A : f32 to vector<1x192xf32>
    %add3A_103 = arith.addf %select_n3A_99, %add3A_102 : vector<1x192xf32>
    %div3A_104 = arith.divf %broadcast_in_dim3A, %add3A_103 : vector<1x192xf32>
    %add3A_105 = arith.constant 1.000000e-07 : f32
    %add3A_106 = vector.broadcast %add3A_105 : f32 to vector<1x192xf32>
    %add3A_107 = arith.addf %select_n3A_101, %add3A_106 : vector<1x192xf32>
    %div3A_108 = arith.divf %broadcast_in_dim3A_6, %add3A_107 : vector<1x192xf32>
    %sub3A_109 = arith.subf %div3A_104, %div3A_108 : vector<1x192xf32>
    %abs3A = math.absf %sub3A_109 : vector<1x192xf32>
    %reduce_sum3A_110 = vector.shape_cast %abs3A : vector<1x192xf32> to vector<1x1x192xf32>
    %reduce_sum3A_111 = arith.constant dense<0.000000e+00> : vector<1xf32>
    %reduce_sum3A_112 = vector.multi_reduction <add>, %reduce_sum3A_110, %reduce_sum3A_111 [1, 2] : vector<1x1x192xf32> to vector<1xf32>
    %reduce_sum3A_113 = vector.shape_cast %reduce_sum3A_112 : vector<1xf32> to vector<1x1x1xf32>
    %reduce_sum3A_114 = vector.extract %reduce_sum3A_113[0, 0, 0] : f32 from vector<1x1x1xf32>
    %div3A_115 = arith.constant 1.920000e+02 : f32
    %div3A_116 = arith.divf %reduce_sum3A_114, %div3A_115 : f32
    %swap3A = arith.constant 0 : index
    %swap3A_117 = arith.constant 0 : index
    %swap3A_118 = memref.load %arg1[%swap3A, %swap3A_117] : memref<1x1xf32, #tpu.memory_space<smem>>
    memref.store %div3A_116, %arg1[%swap3A, %swap3A_117] : memref<1x1xf32, #tpu.memory_space<smem>>
    return
  }
}

</mosaic_0001>

<sc_bundles>
// kernel: kernel.4.cloned.1.call-start
scs
__scs_entry_jumppad:
0x0: {  	(pc) =	sbr.rel $0x88, $3  }
0x1: {  	(tag) =	ssettag $0x0;
	lr =	simm.s32 $0x1  }
0x2: {  	[smem:$0x3F9F] =	sst lr;
	_ =	strace $0xD0000000  }
0x3: {  	_ = 	snop  }
0x4: {  	_ = 	snop  }
0x5: {  	_ = 	snop  }
0x6: {  	_ = 	snop  }
0x7: {  	_ = 	snop  }
__scs_overlays_trampoline_lowered:
0x8: {  	[smem:$0x3FAE] =	sst s0  }
0x9: {  	[smem:$0x3FAF] =	sst s1  }
0xa: {  	[smem:$0x3FB0] =	sst s2  }
0xb: {  	[smem:$0x3FB1] =	sst s3  }
0xc: {  	[smem:$0x3FB2] =	sst s4  }
0xd: {  	[smem:$0x3FB3] =	sst s5  }
0xe: {  	[smem:$0x3FB4] =	sst s6  }
0xf: {  	[smem:$0x3FB5] =	sst s7  }
0x10: {  	[smem:$0x3FB6] =	sst s8  }
0x11: {  	[smem:$0x3FB7] =	sst s9;
	s0 =	simm.s32 @!p0 $0x0  }
0x12: {  	s1 =	sld [smem:$0x3F9D];
	s0 =	simm.s32 @p0 $0x1  }
0x13: {  	[smem:$0x3FB8] =	sst s0;
	s0 =	simm.s32 @!p1 $0x0  }
0x14: {  	s2 =	sld [smem:$0x3F9C];
	s0 =	simm.s32 @p1 $0x1  }
0x15: {  	[smem:$0x3FB9] =	sst s0;
	s0 =	simm.s32 @!p2 $0x0  }
0x16: {  	s3 =	sld [smem:$0x3FDB];
	s0 =	simm.s32 @p2 $0x1  }
0x17: {  	s4 =	simm.s32 $0x1BF5;
	[smem:$0x3FBB] =	sst s0  }
0x18: {  	s0 =	sld [smem:$0x3F9E];
	_ =	swait.ge [sflag:s4], $0x0  }
0x19: {  	s7 =	sld [smem:$0x3F9F]  }
0x1a: {  	s8 =	sadd.s32 $0xFFFFE003, lr  }
0x1b: {  	s9 =	sadd.s32 $0xFFFFFEF7, lr;
	s5 =	simm.s32 $0xFFFFFFFF;
	p2 =	slt.u32 s8, $0xFFFFF086  }
0x1c: {  	p1 =	slt.u32 s9, $0xF7A;
	s5 =	simm.s32 @!p2 $0x0  }
0x1d: {  	s5 =	simm.s32 @p1 $0x1;
	p0 =	seq.s32 s7, s2  }
0x1e: {  	s7 =	smul.u32 @!p0 $0xF7A, s2;
	p2 =	seq.s32 @!p0 s5, $0x0  }
0x1f: {  	s9 =	smul.u32 $0xF7A, s1;
	s8 =	simm.s32 @!p0 $0x1BF5;
	p2 =	por !p2, p0  }
0x20: {  	[sflag:s8] =	ssyncset.s32 @!p0 $0xFFFFF086;
	s6 =	sadd.s32 @!p0 s3, s7;
	s7 =	simm.s32 @!p0 $0x108  }
0x21: {  	s3 =	sadd.s32 s3, s9;
	s6 =	sadd.s32 @!p0 $0x88, s6;
	s7 =	simm.s32 @p2 $0x1082  }
0x22: {  	[simem:s7], [sflag:s8] =	dma.local @!p0 [hbm:s6], $0xF7A  }
0x23: {  	s9 =	sor.u32 $0xD0000000, s2;
	s6 =	simm.s32 $0x108;
	_ =	swait.ge @!p0 [sflag:s8], $0x0  }
0x24: {  	s3 =	sadd.s32 $0x88, s3;
	s6 =	simm.s32 @!p1 $0x1082;
	[sflag:s4] =	ssyncset.s32 $0xFFFFF086  }
0x25: {  	[simem:s6], [sflag:s4] =	dma.local [hbm:s3], $0xF7A  }
0x26: {  	[smem:$0x3F9F] =	sst s1;
	(tag) =	ssettag s2;
	_ =	strace s9  }
0x27: {  	s1 =	sld [smem:$0x3FAF]  }
0x28: {  	s2 =	sld [smem:$0x3FB0]  }
0x29: {  	s4 =	sld [smem:$0x3FB2]  }
0x2a: {  	p0 =	seq.s32 s5, $0x0;
	s5 =	sld [smem:$0x3FB3]  }
0x2b: {  	s6 =	sld [smem:$0x3FB4]  }
0x2c: {  	s7 =	sld [smem:$0x3FB5]  }
0x2d: {  	s3 =	simm.s32 $0x108;
	s8 =	sld [smem:$0x3FB6]  }
0x2e: {  	s3 =	simm.s32 @!p0 $0x1082;
	s9 =	sld [smem:$0x3FB7]  }
0x2f: {  	lr =	sadd.s32 s0, s3;
	s0 =	sld [smem:$0x3FAE]  }
0x30: {  	s3 =	sld [smem:$0x3FB1]  }
0x31: {  	[smem:$0x3FBA] =	sst s10  }
0x32: {  	s10 =	sld [smem:$0x3FB8];
	_ =	sdelay $0x3  }
0x33: {  	p0 =	seq.s32 s10, $0x1;
	s10 =	sld [smem:$0x3FBA];
	_ =	sdelay $0x3  }
0x34: {  	[smem:$0x3FBA] =	sst s10  }
0x35: {  	s10 =	sld [smem:$0x3FB9];
	_ =	sdelay $0x3  }
0x36: {  	p1 =	seq.s32 s10, $0x1;
	s10 =	sld [smem:$0x3FBA];
	_ =	sdelay $0x3  }
0x37: {  	[smem:$0x3FBA] =	sst s10  }
0x38: {  	s10 =	sld [smem:$0x3FBB]  }
0x39: {  	_ = 	snop;
	(pc) =	sbr.ind lr, $3  }
0x3a: {  	_ = 	snop  }
0x3b: {  	_ = 	snop  }
0x3c: {  	p2 =	seq.s32 s10, $0x1;
	s10 =	sld [smem:$0x3FBA]  }
0x3d: {  	_ =	shalt  }
0x3e: {  	_ =	shalt  }
0x3f: {  	_ =	shalt  }
0x40: {  	_ =	shalt  }
0x41: {  	_ =	shalt  }
0x42: {  	_ =	shalt  }
0x43: {  	_ =	shalt  }
0x44: {  	_ =	shalt  }
0x45: {  	_ =	shalt  }
0x46: {  	_ =	shalt  }
0x47: {  	_ =	shalt  }
0x48: {  	_ =	shalt  }
0x49: {  	_ =	shalt  }
0x4a: {  	_ =	shalt  }
0x4b: {  	_ =	shalt  }
0x4c: {  	_ =	shalt  }
0x4d: {  	_ =	shalt  }
0x4e: {  	_ =	shalt  }
0x4f: {  	_ =	shalt  }
0x50: {  	_ =	shalt  }
0x51: {  	_ =	shalt  }
0x52: {  	_ =	shalt  }
0x53: {  	_ =	shalt  }
0x54: {  	_ =	shalt  }
0x55: {  	_ =	shalt  }
0x56: {  	_ =	shalt  }
0x57: {  	_ =	shalt  }
0x58: {  	_ =	shalt  }
0x59: {  	_ =	shalt  }
0x5a: {  	_ =	shalt  }
0x5b: {  	_ =	shalt  }
0x5c: {  	_ =	shalt  }
0x5d: {  	_ =	shalt  }
0x5e: {  	_ =	shalt  }
0x5f: {  	_ =	shalt  }
0x60: {  	_ =	shalt  }
0x61: {  	_ =	shalt  }
0x62: {  	_ =	shalt  }
0x63: {  	_ =	shalt  }
0x64: {  	_ =	shalt  }
0x65: {  	_ =	shalt  }
0x66: {  	_ =	shalt  }
0x67: {  	_ =	shalt  }
0x68: {  	_ =	shalt  }
0x69: {  	_ =	shalt  }
0x6a: {  	_ =	shalt  }
0x6b: {  	_ =	shalt  }
0x6c: {  	_ =	shalt  }
0x6d: {  	_ =	shalt  }
0x6e: {  	_ =	shalt  }
0x6f: {  	_ =	shalt  }
0x70: {  	_ =	shalt  }
0x71: {  	_ =	shalt  }
0x72: {  	_ =	shalt  }
0x73: {  	_ =	shalt  }
0x74: {  	_ =	shalt  }
0x75: {  	_ =	shalt  }
0x76: {  	_ =	shalt  }
0x77: {  	_ =	shalt  }
0x78: {  	_ =	shalt  }
0x79: {  	_ =	shalt  }
0x7a: {  	_ =	shalt  }
0x7b: {  	_ =	shalt  }
0x7c: {  	_ =	shalt  }
0x7d: {  	_ =	shalt  }
0x7e: {  	_ =	shalt  }
0x7f: {  	_ =	shalt  }
0x80: {  	_ =	shalt  }
0x81: {  	_ =	shalt  }
0x82: {  	_ =	shalt  }
0x83: {  	_ =	shalt  }
0x84: {  	_ =	shalt  }
0x85: {  	_ =	shalt  }
0x86: {  	_ =	shalt  }
0x87: {  	_ =	shalt  }
.Lfunc_end0:
.L_simem_size_0:
called_computation_lowered:
.L_overlay_start_0:
0x88: {  	s2 =	sld [smem:$0x3FD9]  }
0x89: {  	s3 =	sld [smem:$0x3FFE];
	_ =	sdelay $0x1  }
0x8a: {  	s1 =	srdreg.scid  }
0x8b: {  	s0 =	sand.u32 $0x1, s1  }
0x8c: {  	s17 =	sshll.u32 s0, $0xA;
	s2 =	sadd.s32 s3, s2  }
0x8d: {  	s2 =	sadd.s32 s2, s17  }
0x8e: {  	[smem:$0x3FC6] =	sst s2  }
0x8f: {  	_ = 	snop  }
0x90: {  	s2 =	sld [smem:$0x3FC9]  }
0x91: {  	s18 =	sld [smem:$0x3FC8];
	(tm) =	ssettm $0x1  }
0x92: {  	s4 =	sld [smem:$0x3FFB];
	_ =	sdelay $0x3  }
0x93: {  	_ =	strace s4  }
0x94: {  	s4 =	sld [smem:$0x3FFC];
	_ =	sdelay $0x3  }
0x95: {  	_ =	strace s4  }
0x96: {  	s4 =	sld [smem:$0x3FFD];
	_ =	sdelay $0x3  }
0x97: {  	_ =	strace s4  }
0x98: {  	_ =	strace $0x8FFFFFFF  }
0x99: {  	s19 =	sld [smem:$0x3FDB];
	_ =	sdelay $0x1  }
0x9a: {  	s5 =	simm.s32 $_scs_section_size  }
0x9b: {  	s6 =	simm.s32 $_size__tile_overlayer_lowered;
	s7 =	simm.s32 $_tile_overlayer_lowered  }
0x9c: {  	s22 =	simm.s32 $0x1BFF;
	s21 =	sshll.u32 s7, $0x1;
	s4 =	sadd.s32 s5, s19  }
0x9d: {  	s8 =	simm.s32 $0x0;
	s20 =	sshll.u32 s6, $0x1;
	s6 =	sadd.s32 s21, s4  }
0x9e: {  	[timem:s8], [sflag:s22] =	dma.local [hbm:s6], s20  }
0x9f: {  	_ =	swait.ge [sflag:s22], s20  }
0xa0: {  	s5 =	ssub.s32 $0x0, s20;
	[sflag:s22] =	ssyncset.done $0x0  }
0xa1: {  	[sflag:s22] =	ssyncadd.s32 s5;
	_ =	sdelay $0x1  }
0xa2: {  	s23 =	simm.s32 $0x1B8B  }
0xa3: {  	_ =	swait.ge [sflag:s23], $0x1  }
0xa4: {  	[sflag:s23] =	ssyncset.done $0x0  }
0xa5: {  	s25 =	simm.s32 $0x1B8E;
	s24 =	sld [smem:$0x3FFE];
	[sflag:s23] =	ssyncadd.s32 $0xFFFFFFFF  }
0xa6: {  	s26 =	simm.s32 $execute0_lowered;
	[smem:$0x3FD2] =	sst s25  }
0xa7: {  	s6 =	sshll.u32 s26, $0x1;
	_ =	strace $0x80000046;
	[dreg:$0x1] =	wrdreg $0xFFFFFFFF  }
0xa8: {  	s28 =	simm.s32 $_size_execute0_lowered;
	s4 =	sadd.s32 s4, s6;
	[dreg:$0x0] =	wrdreg $0x0  }
0xa9: {  	s6 =	sshll.u32 s28, $0x1;
	[dreg:$0x2] =	wrdreg s4  }
0xaa: {  	[dreg:$0x3] =	wrdreg s6  }
0xab: {  	[dreg:$0x4] =	wrdreg $0xC0  }
0xac: {  	_ =	task [dreg:s8], $0x5FFFF  }
0xad: {  	[dreg:$0x1] =	wrdreg $0xFFFFFFFF  }
0xae: {  	[dreg:$0x0] =	wrdreg $0x60  }
0xaf: {  	[dreg:$0x2] =	wrdreg s2  }
0xb0: {  	[dreg:$0x3] =	wrdreg s18  }
0xb1: {  	[dreg:$0x4] =	wrdreg s24  }
0xb2: {  	[dreg:$0x5] =	wrdreg $0x9  }
0xb3: {  	_ =	task.clear_ibuf [dreg:s8], $0x6FFFF;
	_ =	strace $0x90000046  }
0xb4: {  	s29 =	simm.s32 $0x9;
	_ =	strace $0x80000048  }
0xb5: {  	_ =	swait.ge [sflag:s29], $0x1  }
0xb6: {  	[sflag:s29] =	ssyncadd.s32 $0xFFFFFFFF  }
0xb7: {  	_ =	strace $0x90000048  }
0xb8: {  	_ =	sfence  }
0xb9: {  	s30 =	sld [smem:$0x0];
	_ =	sdelay $0x2  }
0xba: {  	s31 =	sshll.u32 s1, $0xD;
	s1 =	sshrl.u32 s1, $0x2  }
0xbb: {  	s3 =	sand.u32 $0x4000, s31;
	s1 =	sadd.s32 s1, s30  }
0xbc: {  	s0 =	sor.u32 s3, s0;
	s1 =	sshll.u32 s1, $0x11  }
0xbd: {  	s0 =	sor.u32 s1, s0  }
0xbe: {  	s0 =	sadd.s32 $0x8F2B, s0  }
0xbf: {  	[sflag:s0] =	ssyncadd.remote.s32 $0x1  }
0xc0: {  	_ =	sfence.sel $0xFFFF  }
0xc1: {  	[dreg:$0x0] =	wrdreg $0xFFFFFFFF;
	(pc) =	sbr.abs _section_cstart, $3  }
0xc2: {  	[dreg:$0x1] =	wrdreg $0xFFFFFFFF  }
0xc3: {  	_ =	task.clear_ibuf [dreg:s8], $0x2FFFF;
	_ =	strace $0x9FFFFFFF  }
0xc4: {  	(tm) =	ssettm $0x7FFFFFFF  }
0xc5: {  	_ =	shalt  }
tec
execute0_lowered:
.L_overlay_start_1:
0x0: {  	(tag) =	ssettag $0x1  }
0x1: {  	v0 =	vimm.s32 $0xBCAB9A89;
	v1 =	vimm.s32 $0xF0EFDECD  }
0x2: {  	v2 =	vimm.s32 $0x34231201;
	v3 =	vimm.s32 $0x78675645;
	v4 =	vimm.s32 $0xBDAC9B8A  }
0x3: {  	v5 =	vimm.s32 $0xF1E0DFCE;
	vm0 =	vcmask $0x1F10;
	v7 =	vimm.s32 $0x7A695847  }
0x4: {  	v9 =	vimm.s32 $0xB0AF9E8D;
	v12 =	vimm.s32 $0x7C6B5A49;
	v15 =	vimm.s32 $0x71605F4E  }
0x5: {  	v18 =	vimm.s32 $0x74635241;
	v19 =	vimm.s32 $0xB9A89786;
	v20 =	vimm.s32 $0xFDECDBCA  }
0x6: {  	v0 =	vunpack.c.0.s8.s32 v0;
	v1 =	vunpack.c.0.s8.s32 v1;
	v2 =	vunpack.c.0.s8.s32 v2  }
0x7: {  	v3 =	vunpack.c.0.s8.s32 v3;
	v6 =	vunpack.c.0.s8.s32 v4;
	v5 =	vunpack.c.0.s8.s32 v5  }
0x8: {  	v9 =	vunpack.c.0.s8.s32 v9;
	v12 =	vunpack.c.0.s8.s32 v12;
	v15 =	vunpack.c.0.s8.s32 v15  }
0x9: {  	v18 =	vunpack.c.0.s8.s32 v18;
	v0 =	vsel vm0, v1, v0;
	v1 =	vsel vm0, v3, v2  }
0xa: {  	v2 =	vimm.s32 $0x79685746;
	v3 =	vimm.s32 $0xBEAD9C8B;
	v4 =	vcombine.low v1, v0  }
0xb: {  	v0 =	vsel vm0, v5, v6;
	v1 =	vimm.s32 $0x35241302;
	v2 =	vunpack.c.0.s8.s32 v2  }
0xc: {  	v3 =	vunpack.c.0.s8.s32 v3;
	v5 =	vimm.s32 $0xF2E1D0CF;
	v1 =	vunpack.c.0.s8.s32 v1  }
0xd: {  	v6 =	vimm.s32 $0x36251403;
	v5 =	vunpack.c.0.s8.s32 v5;
	v4 =	vand.u32 $0xFF, v4  }
0xe: {  	v1 =	vsel vm0, v2, v1;
	v2 =	vunpack.c.0.s8.s32 v6;
	v6 =	vunpack.c.0.s8.s32 v7  }
0xf: {  	v3 =	vsel vm0, v5, v3;
	v5 =	vimm.s32 $0xBFAE9D8C;
	v7 =	vimm.s32 $0xF3E2D1C0  }
0x10: {  	v8 =	vunpack.c.0.s8.s32 v5;
	v7 =	vunpack.c.0.s8.s32 v7;
	v5 =	vimm.s32 $0x37261504  }
0x11: {  	v2 =	vsel vm0, v6, v2;
	v6 =	vimm.s32 $0x7B6A5948;
	v10 =	vunpack.c.0.s8.s32 v5  }
0x12: {  	v5 =	vimm.s32 $0xF4E3D2C1;
	v11 =	vunpack.c.0.s8.s32 v6;
	v6 =	vimm.s32 $0x38271605  }
0x13: {  	v13 =	vunpack.c.0.s8.s32 v5;
	v5 =	vcombine.low v1, v0;
	v0 =	vsel vm0, v7, v8  }
0x14: {  	v7 =	vimm.s32 $0xB1A09F8E;
	v8 =	vimm.s32 $0xF5E4D3C2;
	v14 =	vunpack.c.0.s8.s32 v6  }
0x15: {  	v6 =	vcombine.low v2, v3;
	v1 =	vsel vm0, v11, v10;
	v2 =	vsel vm0, v13, v9  }
0x16: {  	v9 =	vimm.s32 $0x39281706;
	v10 =	vunpack.c.0.s8.s32 v7;
	v11 =	vunpack.c.0.s8.s32 v8  }
0x17: {  	v7 =	vimm.s32 $0x7D6C5B4A;
	v8 =	vimm.s32 $0xB2A1908F;
	v5 =	vand.u32 $0xFF, v5  }
0x18: {  	v3 =	vsel vm0, v12, v14;
	v9 =	vunpack.c.0.s8.s32 v9;
	v12 =	vimm.s32 $0xF6E5D4C3  }
0x19: {  	v13 =	vunpack.c.0.s8.s32 v7;
	v14 =	vunpack.c.0.s8.s32 v8;
	v7 =	vcombine.low v1, v0  }
0x1a: {  	v6 =	vand.u32 $0xFF, v6;
	v12 =	vunpack.c.0.s8.s32 v12;
	v8 =	vcombine.low v3, v2  }
0x1b: {  	v0 =	vsel vm0, v11, v10;
	v3 =	vimm.s32 $0x3A291807;
	v10 =	vimm.s32 $0xB3A29180  }
0x1c: {  	v11 =	vimm.s32 $0xF7E6D5C4;
	v1 =	vsel vm0, v13, v9;
	v3 =	vunpack.c.0.s8.s32 v3  }
0x1d: {  	v9 =	vimm.s32 $0x7E6D5C4B;
	v10 =	vunpack.c.0.s8.s32 v10;
	v11 =	vunpack.c.0.s8.s32 v11  }
0x1e: {  	v13 =	vimm.s32 $0x7F6E5D4C;
	v7 =	vand.u32 $0xFF, v7;
	v9 =	vunpack.c.0.s8.s32 v9  }
0x1f: {  	v2 =	vsel vm0, v12, v14;
	v12 =	vimm.s32 $0x3B2A1908;
	v8 =	vand.u32 $0xFF, v8  }
0x20: {  	v3 =	vsel vm0, v9, v3;
	v9 =	vunpack.c.0.s8.s32 v12;
	v12 =	vunpack.c.0.s8.s32 v13  }
0x21: {  	v13 =	vcombine.low v1, v0;
	v0 =	vsel vm0, v11, v10;
	v10 =	vimm.s32 $0xF9E8D7C6  }
0x22: {  	v14 =	vcombine.low v3, v2;
	v2 =	vimm.s32 $0xB4A39281;
	v3 =	vimm.s32 $0xF8E7D6C5  }
0x23: {  	v10 =	vunpack.c.0.s8.s32 v10;
	v1 =	vsel vm0, v12, v9;
	v9 =	vimm.s32 $0xB5A49382  }
0x24: {  	v12 =	vimm.s32 $0x3D2C1B0A;
	v11 =	vcombine.low v1, v0;
	v0 =	vunpack.c.0.s8.s32 v2  }
0x25: {  	v1 =	vunpack.c.0.s8.s32 v3;
	v2 =	vimm.s32 $0x3C2B1A09;
	v3 =	vimm.s32 $0x706F5E4D  }
0x26: {  	v9 =	vunpack.c.0.s8.s32 v9;
	v2 =	vunpack.c.0.s8.s32 v2;
	v3 =	vunpack.c.0.s8.s32 v3  }
0x27: {  	v12 =	vunpack.c.0.s8.s32 v12;
	v0 =	vsel vm0, v1, v0;
	v11 =	vand.u32 $0xFF, v11  }
0x28: {  	v1 =	vsel vm0, v3, v2;
	v2 =	vimm.s32 $0xB6A59483;
	v3 =	vsel vm0, v10, v9  }
0x29: {  	v9 =	vsel vm0, v15, v12;
	v10 =	vimm.s32 $0xFAE9D8C7;
	v12 =	vimm.s32 $0x3E2D1C0B  }
0x2a: {  	v15 =	vimm.s32 $0x7261504F;
	v2 =	vunpack.c.0.s8.s32 v2;
	v10 =	vunpack.c.0.s8.s32 v10  }
0x2b: {  	v12 =	vunpack.c.0.s8.s32 v12;
	v15 =	vunpack.c.0.s8.s32 v15;
	v16 =	vcombine.low v1, v0  }
0x2c: {  	v17 =	vcombine.low v9, v3;
	v3 =	vimm.s32 $0x73625140;
	v9 =	vimm.s32 $0xB8A79685  }
0x2d: {  	v3 =	vunpack.c.0.s8.s32 v3;
	v9 =	vunpack.c.0.s8.s32 v9;
	v0 =	vsel vm0, v10, v2  }
0x2e: {  	s0 =	rddreg [dreg:$0x0];
	v1 =	vsel vm0, v15, v12;
	v2 =	vimm.s32 $0xB7A69584;
	v10 =	vimm.s32 $0xFCEBDAC9  }
0x2f: {  	s1 =	rddreg [dreg:$0x1];
	v12 =	vimm.s32 $0x302F1E0D;
	v15 =	vcombine.low v1, v0;
	v1 =	vimm.s32 $0xFBEAD9C8  }
0x30: {  	s5 =	rddreg [dreg:$0x2];
	s2 =	stileid.u32;
	v0 =	vunpack.c.0.s8.s32 v2;
	v2 =	vimm.s32 $0x3F2E1D0C;
	v1 =	vunpack.c.0.s8.s32 v1  }
0x31: {  	s6 =	srdreg.scid;
	s4 =	simm.s32 $0x0;
	s16 =	simm.s32 $0x1;
	v10 =	vunpack.c.0.s8.s32 v10;
	v12 =	vunpack.c.0.s8.s32 v12;
	v2 =	vunpack.c.0.s8.s32 v2  }
0x32: {  	s17 =	simm.s32 $0x10000;
	s18 =	simm.s32 $0x2;
	s19 =	simm.s32 $0x80;
	v0 =	vsel vm0, v1, v0;
	v1 =	vunpack.c.0.s8.s32 v19;
	v19 =	vunpack.c.0.s8.s32 v20  }
0x33: {  	s20 =	simm.s32 $0x400;
	s21 =	simm.s32 $0x10C00;
	s22 =	simm.s32 $0x3;
	v2 =	vsel vm0, v3, v2;
	v3 =	vsel vm0, v10, v9;
	v9 =	vsel vm0, v18, v12  }
0x34: {  	s23 =	simm.s32 $0x0;
	s6 =	sand.u32 $0x1, s6;
	[smem:$0x7FF] =	sst s4;
	v10 =	vimm.s32 $0x76655443;
	v18 =	vcombine.low v2, v0;
	v20 =	vcombine.low v9, v3  }
0x35: {  	s7 =	sshll.u32 s2, $0x1;
	s8 =	sshll.u32 s2, $0x6;
	p0 =	sgt.u32 s2, $0x7;
	v0 =	vimm.s32 $0x31201F0E;
	v2 =	vimm.s32 $0xBAA99887;
	v9 =	vimm.s32 $0x3221100F  }
0x36: {  	s9 =	sor.u32 s6, s7;
	_ =	strace $0x80000047;
	s6 =	ssub.s32 $0x2, s6;
	v10 =	vunpack.c.0.s8.s32 v10;
	v19 =	vsel vm0, v19, v1;
	v1 =	vimm.s32 $0x75645342  }
0x37: {  	s25 =	sand.u32 $0x300, s8;
	s12 =	smul.u32 $0xC0000, s9;
	s28 =	sshrl.u32 s6, $0x1;
	v3 =	vunpack.c.0.s8.s32 v0;
	v0 =	vimm.s32 $0xFEEDDCCB;
	v9 =	vunpack.c.0.s8.s32 v9  }
0x38: {  	s13 =	sadd.s32 s25, s5;
	s11 =	sshll.u32 s9, $0x4;
	s14 =	ssub.s32 s6, s28;
	v2 =	vunpack.c.0.s8.s32 v2;
	v1 =	vunpack.c.0.s8.s32 v1;
	v12 =	vunpack.c.0.s8.s32 v0  }
0x39: {  	s15 =	sand.u32 $0x70, s11;
	s26 =	sadd.s32 $0xFF400000, s12;
	s10 =	sadd.s32 $0xFF408000, s12;
	v0 =	vimm.f32 $0.0e+00;
	v23 =	vsel vm0, v10, v9;
	v9 =	vand.u32 $0xFF, v13  }
0x3a: {  	s31 =	sshrl.u32 s12, $0x3;
	s7 =	sadd.s32 $0xFF410000, s12;
	s9 =	sadd.s32 $0xFF418000, s12;
	v10 =	vand.u32 $0xFF, v14;
	v13 =	vand.u32 $0xFF, v17;
	v14 =	vand.u32 $0xFF, v15  }
0x3b: {  	s11 =	sor.u32 $0x10000, s12;
	s12 =	sor.u32 $0x18000, s12;
	s13 =	sadd.s32 s15, s13;
	v15 =	vand.u32 $0xFF, v18;
	v21 =	vsel vm0, v1, v3;
	v22 =	vsel vm0, v12, v2  }
0x3c: {  	s14 =	smax.u32 s14, $0x1;
	s15 =	simm.s32 $0x8000;
	s29 =	sshrl.u32 s26, $0x3;
	v1 =	vlaneseq.u32;
	v19 =	vcombine.low v21, v19;
	v63 =	vcombine.low v23, v22  }
0x3d: {  	s30 =	sshrl.u32 s10, $0x3;
	s8 =	sadd.s32 s0, s31;
	s13 =	sadd.s32 $0x600, s13;
	v2 =	vimm.f32 $1.000000000e+00;
	v12 =	vand.u32 $0xFF, v16;
	v16 =	vand.u32 $0xFF, v20  }
0x3e: {  	s5 =	sadd.s32 s1, s29;
	s6 =	sadd.s32 s1, s30;
	s10 =	sadd.s32 $0x1000, s8;
	v3 =	vmul.u32 $0x11, v1;
	v17 =	vand.u32 $0xFF, v19;
	v18 =	vand.u32 $0xFF, v63  }
.LBB2_1:
.Ltmp0:
0x3f: {  	(pc) =	sbr.rel @p0 .LBB2_15-.Ltmp0, $2  }
0x40: {  	_ =	sdelay $0x2  }
0x41: {  	s24 =	simm.s32 $0x0  }
0x42: {  	[tilespmem:s24], [sflag:$0x1] =	stream.linear.gather [hbm4b:s8+s24], $0x8000, $0x38;
	[tilespmem:$0x10D00] =	vst v63  }
0x43: {  	s25 =	simm.s32 $0x40;
	s26 =	simm.s32 $0x0  }
0x44: {  	[tilespmem:s15], [sflag:$0x2] =	stream.linear.gather [hbm4b:s10+s24], $0x8000, $0x38;
	[tilespmem:$0x10D00] =	vst v63  }
.LBB2_3:
0x45: {  	p1 =	sne.s32 s25, $0x2FC0;
	[tilespmem:s26+$0x10000] =	vst v0;
	s26 =	smov.u32 s25;
	s25 =	sadd.s32 $0x40, s25  }
.Ltmp1:
0x46: {  	(pc) =	sbr.rel @p1 .LBB2_3-.Ltmp1, $2  }
0x47: {  	_ =	sdelay $0x2  }
0x48: {  	s26 =	sshra.s32 s26, $0x2  }
0x49: {  	[tilespmem:s26+$0x10000] =	vst v0  }
.LBB2_5:
0x4a: {  	s25 =	simm.s32 $0x0  }
0x4b: {  	_ =	swait.ge [sflag:s16], $0x8000;
	s26 =	sand.u32 $0x7000, s25;
	s28 =	sand.u32 $0x800, s25  }
0x4c: {  	[sflag:s16] =	ssyncset.done $0x0;
	s25 =	sand.u32 $0x380, s25;
	s26 =	sor.u32 s28, s26  }
0x4d: {  	[sflag:s16] =	ssyncadd.s32 $0xFFFF8000;
	s25 =	sor.u32 s25, s26  }
0x4e: {  	v20 =	vld [tilespmem:s25+$0x420]  }
0x4f: {  	v21 =	vld [tilespmem:s25+$0x0]  }
0x50: {  	v22 =	vld [tilespmem:s25+$0x470]  }
0x51: {  	v19 =	vld [tilespmem:s25+$0x40]  }
0x52: {  	v23 =	vld [tilespmem:s25+$0x20]  }
0x53: {  	v24 =	vld [tilespmem:s25+$0x440]  }
0x54: {  	v25 =	vld [tilespmem:s25+$0x430]  }
0x55: {  	v26 =	vld [tilespmem:s25+$0x70]  }
0x56: {  	v28 =	vld [tilespmem:s25+$0x50]  }
0x57: {  	v29 =	vld [tilespmem:s25+$0x410];
	v27 =	vadd.f32 $1.000000000e+00, v19  }
0x58: {  	s31 =	sshll.u32 s24, $0x8;
	v31 =	vadd.f32 $1.000000000e+00, v21;
	v33 =	vadd.f32 $1.000000000e+00, v22  }
0x59: {  	s26 =	sand.u32 $0xC00, s31;
	v25 =	vadd.f32 $1.000000000e+00, v25;
	v24 =	vadd.f32 $1.000000000e+00, v24  }
0x5a: {  	v30 =	vld [tilespmem:s25+$0x460];
	v19 =	vor.u32 s26, v1;
	v32 =	vadd.f32 $1.000000000e+00, v23;
	v23 =	vadd.f32 $1.000000000e+00, v26  }
0x5b: {  	v26 =	vadd.f32 $1.000000000e+00, v28;
	v20 =	vadd.f32 $1.000000000e+00, v20;
	v21 =	vshrl.u32 v27, $0xD  }
0x5c: {  	v34 =	vld [tilespmem:s25+$0x400];
	v24 =	vshrl.u32 v24, $0xD;
	v23 =	vshrl.u32 v23, $0xD;
	v27 =	vadd.f32 $1.000000000e+00, v29  }
0x5d: {  	v22 =	vld [tilespmem:s25+$0x450];
	v28 =	vshrl.u32 v26, $0xD;
	v63 =	vshrl.u32 v20, $0xD;
	v21 =	vand.u32 $0x3F0, v21  }
0x5e: {  	v24 =	vand.u32 $0x3F0, v24;
	v23 =	vand.u32 $0x3F0, v23;
	v28 =	vand.u32 $0x3F0, v28  }
0x5f: {  	v21 =	vor.u32 v19, v21;
	v35 =	vor.u32 v19, v24;
	v24 =	vadd.f32 $1.000000000e+00, v30  }
0x60: {  	v36 =	vshrl.u32 v27, $0xD;
	v37 =	vor.u32 v19, v23;
	v23 =	vshrl.u32 v25, $0xD  }
0x61: {  	v26 =	vld [tilespmem:s25+$0x30];
	v30 =	vadd.f32 $1.000000000e+00, v34;
	v25 =	vand.u32 $0x3F0, v23;
	v24 =	vshrl.u32 v24, $0xD  }
0x62: {  	v27 =	vld [tilespmem:s25+$0x60];
	v22 =	vadd.f32 $1.000000000e+00, v22;
	v29 =	vor.u32 v19, v25;
	v24 =	vand.u32 $0x3F0, v24  }
0x63: {  	v23 =	vshrl.u32 v31, $0xD;
	v31 =	vshrl.u32 v32, $0xD;
	v25 =	vld [tilespmem:s25+$0x10];
	v24 =	vor.u32 v19, v24  }
0x64: {  	s29 =	simm.s32 $0x100;
	v32 =	vand.u32 $0x3F0, v36;
	v20 =	vand.u32 $0x3F0, v31;
	v31 =	vshrl.u32 v33, $0xD;
	[tilespmem:v35+s17+$0x0] =	vst.idx.add.f32.msk $0xffff, v2  }
0x65: {  	s28 =	simm.s32 $0x800;
	s26 =	simm.s32 $0x40;
	s25 =	simm.s32 $0x0;
	v33 =	vand.u32 $0x3F0, v63;
	v20 =	vor.u32 v19, v20;
	v31 =	vand.u32 $0x3F0, v31;
	[tilespmem:v37+s17+$0x0] =	vst.idx.add.f32.msk $0xffff, v2  }
.LBB2_6:
0x66: {  	s30 =	sand.u32 $0x7000, s29;
	s31 =	sand.u32 $0x800, s28;
	s25 =	sadd.s32 $0x10, s25;
	[tilespmem:v21+s17+$0x0] =	vst.idx.add.f32.msk $0xffff, v2;
	v21 =	vor.u32 v19, v28;
	v22 =	vshrl.u32 v22, $0xD;
	v28 =	vor.u32 v19, v31  }
0x67: {  	s2 =	sand.u32 $0x380, s26;
	v23 =	vand.u32 $0x3F0, v23;
	v26 =	vadd.f32 $1.000000000e+00, v26;
	v31 =	vor.u32 v19, v32;
	s30 =	sor.u32 s31, s30;
	p1 =	slt.u32 s25, $0x7F0;
	[tilespmem:v29+s17+$0x0] =	vst.idx.add.f32.msk $0xffff, v2  }
0x68: {  	v29 =	vshrl.u32 v30, $0xD;
	v30 =	vor.u32 v19, v33;
	s30 =	sor.u32 s2, s30;
	v25 =	vadd.f32 $1.000000000e+00, v25;
	[tilespmem:v24+s17+$0x0] =	vst.idx.add.f32.msk $0xffff, v2  }
0x69: {  	v27 =	vadd.f32 $1.000000000e+00, v27;
	v26 =	vshrl.u32 v26, $0xD;
	v29 =	vand.u32 $0x3F0, v29;
	v24 =	vld [tilespmem:s30+$0x420]  }
0x6a: {  	v23 =	vor.u32 v19, v23;
	v29 =	vor.u32 v19, v29;
	v32 =	vld [tilespmem:s30+$0x0];
	v25 =	vshrl.u32 v25, $0xD  }
0x6b: {  	v26 =	vand.u32 $0x3F0, v26;
	v27 =	vshrl.u32 v27, $0xD;
	v33 =	vld [tilespmem:s30+$0x470];
	v25 =	vand.u32 $0x3F0, v25  }
0x6c: {  	v27 =	vand.u32 $0x3F0, v27;
	v25 =	vor.u32 v19, v25;
	[tilespmem:v31+s17+$0x0] =	vst.idx.add.f32.msk $0xffff, v2  }
0x6d: {  	v27 =	vor.u32 v19, v27;
	v31 =	vld [tilespmem:s30+$0x450]  }
0x6e: {  	[tilespmem:v30+s17+$0x0] =	vst.idx.add.f32.msk $0xffff, v2  }
0x6f: {  	v30 =	vld [tilespmem:s30+$0x20]  }
0x70: {  	[tilespmem:v29+s17+$0x0] =	vst.idx.add.f32.msk $0xffff, v2  }
0x71: {  	v29 =	vld [tilespmem:s30+$0x460]  }
0x72: {  	v26 =	vor.u32 v19, v26;
	v34 =	vld [tilespmem:s30+$0x40]  }
0x73: {  	v35 =	vld [tilespmem:s30+$0x440]  }
0x74: {  	[tilespmem:v27+s17+$0x0] =	vst.idx.add.f32.msk $0xffff, v2  }
0x75: {  	v27 =	vld [tilespmem:s30+$0x430]  }
0x76: {  	v22 =	vand.u32 $0x3F0, v22;
	v36 =	vld [tilespmem:s30+$0x70]  }
0x77: {  	v22 =	vor.u32 v19, v22;
	v34 =	vadd.f32 $1.000000000e+00, v34;
	v37 =	vld [tilespmem:s30+$0x50]  }
0x78: {  	v38 =	vld [tilespmem:s30+$0x410]  }
0x79: {  	v32 =	vadd.f32 $1.000000000e+00, v32;
	v33 =	vadd.f32 $1.000000000e+00, v33;
	v34 =	vshrl.u32 v34, $0xD;
	v39 =	vld [tilespmem:s30+$0x400]  }
0x7a: {  	v35 =	vadd.f32 $1.000000000e+00, v35;
	v34 =	vand.u32 $0x3F0, v34;
	v27 =	vadd.f32 $1.000000000e+00, v27;
	[tilespmem:v21+s17+$0x0] =	vst.idx.add.f32.msk $0xffff, v2  }
0x7b: {  	v30 =	vadd.f32 $1.000000000e+00, v30;
	v21 =	vor.u32 v19, v34;
	v34 =	vadd.f32 $1.000000000e+00, v36;
	[tilespmem:v26+s17+$0x0] =	vst.idx.add.f32.msk $0xffff, v2  }
0x7c: {  	v36 =	vadd.f32 $1.000000000e+00, v24;
	v24 =	vshrl.u32 v35, $0xD;
	v26 =	vadd.f32 $1.000000000e+00, v37;
	[tilespmem:v22+s17+$0x0] =	vst.idx.add.f32.msk $0xffff, v2  }
0x7d: {  	v24 =	vand.u32 $0x3F0, v24;
	v22 =	vshrl.u32 v34, $0xD;
	v34 =	vadd.f32 $1.000000000e+00, v38;
	[tilespmem:v20+s17+$0x0] =	vst.idx.add.f32.msk $0xffff, v2  }
0x7e: {  	v35 =	vor.u32 v19, v24;
	v24 =	vadd.f32 $1.000000000e+00, v29;
	v20 =	vand.u32 $0x3F0, v22;
	[tilespmem:v25+s17+$0x0] =	vst.idx.add.f32.msk $0xffff, v2  }
0x7f: {  	v25 =	vshrl.u32 v26, $0xD;
	v22 =	vadd.f32 $1.000000000e+00, v31;
	v34 =	vshrl.u32 v34, $0xD;
	[tilespmem:v23+s17+$0x0] =	vst.idx.add.f32.msk $0xffff, v2  }
0x80: {  	v31 =	vor.u32 v19, v20;
	v20 =	vshrl.u32 v27, $0xD;
	v23 =	vshrl.u32 v24, $0xD;
	[tilespmem:v28+s17+$0x0] =	vst.idx.add.f32.msk $0xffff, v2  }
.Ltmp2:
0x81: {  	v28 =	vand.u32 $0x3F0, v25;
	v20 =	vand.u32 $0x3F0, v20;
	v24 =	vand.u32 $0x3F0, v23;
	v26 =	vld [tilespmem:s30+$0x30];
	(pc) =	sbr.rel @p1 .LBB2_6-.Ltmp2, $4  }
0x82: {  	v23 =	vshrl.u32 v32, $0xD;
	v29 =	vor.u32 v19, v20;
	v24 =	vor.u32 v19, v24;
	v27 =	vld [tilespmem:s30+$0x60]  }
0x83: {  	v36 =	vshrl.u32 v36, $0xD;
	v20 =	vshrl.u32 v30, $0xD;
	v30 =	vadd.f32 $1.000000000e+00, v39;
	v25 =	vld [tilespmem:s30+$0x10]  }
0x84: {  	v32 =	vand.u32 $0x3F0, v34;
	v34 =	vshrl.u32 v33, $0xD;
	v20 =	vand.u32 $0x3F0, v20;
	[tilespmem:v35+s17+$0x0] =	vst.idx.add.f32.msk $0xffff, v2  }
0x85: {  	s26 =	sadd.s32 $0x40, s26;
	s28 =	sadd.s32 $0x800, s28;
	s29 =	sadd.s32 $0x100, s29;
	v33 =	vand.u32 $0x3F0, v36;
	v20 =	vor.u32 v19, v20;
	[tilespmem:v31+s17+$0x0] =	vst.idx.add.f32.msk $0xffff, v2;
	v31 =	vand.u32 $0x3F0, v34  }
0x86: {  	_ =	sdelay $0x2  }
0x87: {  	v26 =	vadd.f32 $1.000000000e+00, v26;
	v32 =	vor.u32 v19, v32;
	v30 =	vshrl.u32 v30, $0xD  }
0x88: {  	v33 =	vor.u32 v19, v33;
	[tilespmem:v21+s17+$0x0] =	vst.idx.add.f32.msk $0xffff, v2;
	v28 =	vor.u32 v19, v28;
	v30 =	vand.u32 $0x3F0, v30  }
0x89: {  	[tilespmem:v29+s17+$0x0] =	vst.idx.add.f32.msk $0xffff, v2;
	v22 =	vshrl.u32 v22, $0xD;
	v27 =	vadd.f32 $1.000000000e+00, v27;
	v21 =	vor.u32 v19, v30  }
0x8a: {  	[tilespmem:v24+s17+$0x0] =	vst.idx.add.f32.msk $0xffff, v2;
	v22 =	vand.u32 $0x3F0, v22;
	v26 =	vshrl.u32 v26, $0xD;
	v25 =	vadd.f32 $1.000000000e+00, v25  }
0x8b: {  	[tilespmem:v20+s17+$0x0] =	vst.idx.add.f32.msk $0xffff, v2;
	v22 =	vor.u32 v19, v22;
	v27 =	vshrl.u32 v27, $0xD;
	v24 =	vand.u32 $0x3F0, v26  }
0x8c: {  	v27 =	vand.u32 $0x3F0, v27;
	v24 =	vor.u32 v19, v24;
	v25 =	vshrl.u32 v25, $0xD;
	[tilespmem:v32+s17+$0x0] =	vst.idx.add.f32.msk $0xffff, v2  }
0x8d: {  	v27 =	vor.u32 v19, v27;
	[tilespmem:v33+s17+$0x0] =	vst.idx.add.f32.msk $0xffff, v2;
	v25 =	vand.u32 $0x3F0, v25  }
0x8e: {  	[tilespmem:v21+s17+$0x0] =	vst.idx.add.f32.msk $0xffff, v2;
	v21 =	vand.u32 $0x3F0, v23;
	v23 =	vor.u32 v19, v25  }
0x8f: {  	[tilespmem:v28+s17+$0x0] =	vst.idx.add.f32.msk $0xffff, v2;
	v25 =	vor.u32 v19, v31  }
0x90: {  	[tilespmem:v22+s17+$0x0] =	vst.idx.add.f32.msk $0xffff, v2;
	v21 =	vor.u32 v19, v21  }
0x91: {  	[tilespmem:v24+s17+$0x0] =	vst.idx.add.f32.msk $0xffff, v2  }
0x92: {  	s25 =	sshll.u32 s24, $0x10;
	p1 =	seq.s32 s24, $0xB;
	[tilespmem:v27+s17+$0x0] =	vst.idx.add.f32.msk $0xffff, v2  }
0x93: {  	s2 =	sadd.s32 @!p1 s25, s11;
	[tilespmem:v23+s17+$0x0] =	vst.idx.add.f32.msk $0xffff, v2  }
0x94: {  	s2 =	sshrl.u32 @!p1 s2, $0x3;
	[tilespmem:v25+s17+$0x0] =	vst.idx.add.f32.msk $0xffff, v2  }
0x95: {  	s26 =	simm.s32 @!p1 $0x0;
	s2 =	sadd.s32 @!p1 s0, s2;
	[tilespmem:v21+s17+$0x0] =	vst.idx.add.f32.msk $0xffff, v2  }
0x96: {  	[tilespmem:s26], [sflag:$0x1] =	stream.linear.gather @!p1 [hbm4b:s2+s26], $0x8000, $0x38;
	[tilespmem:$0x10D00] =	vst v63  }
0x97: {  	s26 =	simm.s32 $0x0  }
0x98: {  	_ =	swait.ge [sflag:s18], $0x8000;
	s31 =	sand.u32 $0x7000, s26;
	s28 =	sand.u32 $0x800, s26  }
0x99: {  	s2 =	sand.u32 $0x380, s26;
	[sflag:s18] =	ssyncset.done $0x0;
	s26 =	sor.u32 s28, s31  }
0x9a: {  	[sflag:s18] =	ssyncadd.s32 $0xFFFF8000;
	s2 =	sor.u32 s2, s26  }
0x9b: {  	v20 =	vld [tilespmem:s2+$0x8420]  }
0x9c: {  	v21 =	vld [tilespmem:s2+$0x8000]  }
0x9d: {  	v22 =	vld [tilespmem:s2+$0x8470]  }
0x9e: {  	v23 =	vld [tilespmem:s2+$0x8040]  }
0x9f: {  	v24 =	vld [tilespmem:s2+$0x8020]  }
0xa0: {  	v25 =	vld [tilespmem:s2+$0x8440]  }
0xa1: {  	v26 =	vld [tilespmem:s2+$0x8430]  }
0xa2: {  	v27 =	vld [tilespmem:s2+$0x8070]  }
0xa3: {  	v29 =	vld [tilespmem:s2+$0x8410]  }
0xa4: {  	v28 =	vld [tilespmem:s2+$0x8050];
	v23 =	vadd.f32 $1.000000000e+00, v23  }
0xa5: {  	v31 =	vadd.f32 $1.000000000e+00, v21;
	v61 =	vadd.f32 $1.000000000e+00, v22  }
0xa6: {  	v25 =	vadd.f32 $1.000000000e+00, v25;
	v62 =	vadd.f32 $1.000000000e+00, v24  }
0xa7: {  	v30 =	vld [tilespmem:s2+$0x8460];
	v24 =	vadd.f32 $1.000000000e+00, v27;
	v20 =	vadd.f32 $1.000000000e+00, v20  }
0xa8: {  	v27 =	vadd.f32 $1.000000000e+00, v29;
	v21 =	vshrl.u32 v23, $0xD;
	v23 =	vadd.f32 $1.000000000e+00, v26  }
0xa9: {  	v26 =	vadd.f32 $1.000000000e+00, v28;
	v25 =	vshrl.u32 v25, $0xD;
	v24 =	vshrl.u32 v24, $0xD  }
0xaa: {  	v34 =	vld [tilespmem:s2+$0x8400];
	v36 =	vshrl.u32 v27, $0xD;
	v63 =	vshrl.u32 v20, $0xD;
	v21 =	vand.u32 $0x3F0, v21  }
0xab: {  	v25 =	vand.u32 $0x3F0, v25;
	v24 =	vand.u32 $0x3F0, v24;
	v32 =	vand.u32 $0x3F0, v36  }
0xac: {  	v22 =	vld [tilespmem:s2+$0x8450];
	v33 =	vand.u32 $0x3F0, v63;
	v35 =	vor.u32 v19, v25;
	v25 =	vadd.f32 $1.000000000e+00, v30  }
0xad: {  	v21 =	vor.u32 v19, v21;
	v37 =	vor.u32 v19, v24;
	v23 =	vshrl.u32 v23, $0xD  }
0xae: {  	v27 =	vld [tilespmem:s2+$0x8060];
	v28 =	vshrl.u32 v26, $0xD;
	v24 =	vshrl.u32 v25, $0xD;
	v25 =	vand.u32 $0x3F0, v23  }
0xaf: {  	v26 =	vld [tilespmem:s2+$0x8030];
	v30 =	vadd.f32 $1.000000000e+00, v34;
	v24 =	vand.u32 $0x3F0, v24;
	v29 =	vor.u32 v19, v25  }
0xb0: {  	v23 =	vshrl.u32 v31, $0xD;
	v31 =	vshrl.u32 v62, $0xD;
	v25 =	vld [tilespmem:s2+$0x8010];
	v24 =	vor.u32 v19, v24  }
0xb1: {  	s29 =	simm.s32 $0x800;
	v22 =	vadd.f32 $1.000000000e+00, v22;
	v20 =	vand.u32 $0x3F0, v31;
	v31 =	vshrl.u32 v61, $0xD;
	[tilespmem:v35+s17+$0x0] =	vst.idx.add.f32.msk $0xffff, v2  }
0xb2: {  	s30 =	simm.s32 $0x100;
	s28 =	simm.s32 $0x40;
	s26 =	simm.s32 $0x0;
	v28 =	vand.u32 $0x3F0, v28;
	v20 =	vor.u32 v19, v20;
	v31 =	vand.u32 $0x3F0, v31;
	[tilespmem:v37+s17+$0x0] =	vst.idx.add.f32.msk $0xffff, v2  }
.LBB2_8:
0xb3: {  	s2 =	sand.u32 $0x7000, s30;
	s31 =	sand.u32 $0x800, s29;
	s26 =	sadd.s32 $0x10, s26;
	[tilespmem:v21+s17+$0x0] =	vst.idx.add.f32.msk $0xffff, v2;
	v21 =	vor.u32 v19, v28;
	v22 =	vshrl.u32 v22, $0xD;
	v28 =	vor.u32 v19, v31  }
0xb4: {  	s3 =	sand.u32 $0x380, s28;
	v23 =	vand.u32 $0x3F0, v23;
	v26 =	vadd.f32 $1.000000000e+00, v26;
	v31 =	vor.u32 v19, v32;
	s2 =	sor.u32 s31, s2;
	p1 =	slt.u32 s26, $0x7F0;
	[tilespmem:v29+s17+$0x0] =	vst.idx.add.f32.msk $0xffff, v2  }
0xb5: {  	v29 =	vshrl.u32 v30, $0xD;
	v30 =	vor.u32 v19, v33;
	s31 =	sor.u32 s3, s2;
	v25 =	vadd.f32 $1.000000000e+00, v25;
	[tilespmem:v24+s17+$0x0] =	vst.idx.add.f32.msk $0xffff, v2  }
0xb6: {  	v27 =	vadd.f32 $1.000000000e+00, v27;
	v26 =	vshrl.u32 v26, $0xD;
	v29 =	vand.u32 $0x3F0, v29;
	v24 =	vld [tilespmem:s31+$0x8420]  }
0xb7: {  	v23 =	vor.u32 v19, v23;
	v29 =	vor.u32 v19, v29;
	v32 =	vld [tilespmem:s31+$0x8000];
	v25 =	vshrl.u32 v25, $0xD  }
0xb8: {  	v26 =	vand.u32 $0x3F0, v26;
	v27 =	vshrl.u32 v27, $0xD;
	v33 =	vld [tilespmem:s31+$0x8470];
	v25 =	vand.u32 $0x3F0, v25  }
0xb9: {  	v27 =	vand.u32 $0x3F0, v27;
	v25 =	vor.u32 v19, v25;
	[tilespmem:v31+s17+$0x0] =	vst.idx.add.f32.msk $0xffff, v2  }
0xba: {  	v27 =	vor.u32 v19, v27;
	v31 =	vld [tilespmem:s31+$0x8450]  }
0xbb: {  	[tilespmem:v30+s17+$0x0] =	vst.idx.add.f32.msk $0xffff, v2  }
0xbc: {  	v30 =	vld [tilespmem:s31+$0x8020]  }
0xbd: {  	[tilespmem:v29+s17+$0x0] =	vst.idx.add.f32.msk $0xffff, v2  }
0xbe: {  	v29 =	vld [tilespmem:s31+$0x8460]  }
0xbf: {  	v26 =	vor.u32 v19, v26;
	v34 =	vld [tilespmem:s31+$0x8040]  }
0xc0: {  	v35 =	vld [tilespmem:s31+$0x8440]  }
0xc1: {  	[tilespmem:v27+s17+$0x0] =	vst.idx.add.f32.msk $0xffff, v2  }
0xc2: {  	v27 =	vld [tilespmem:s31+$0x8430]  }
0xc3: {  	v22 =	vand.u32 $0x3F0, v22;
	v36 =	vld [tilespmem:s31+$0x8070]  }
0xc4: {  	v22 =	vor.u32 v19, v22;
	v34 =	vadd.f32 $1.000000000e+00, v34;
	v37 =	vld [tilespmem:s31+$0x8050]  }
0xc5: {  	v38 =	vld [tilespmem:s31+$0x8410]  }
0xc6: {  	v32 =	vadd.f32 $1.000000000e+00, v32;
	v33 =	vadd.f32 $1.000000000e+00, v33;
	v34 =	vshrl.u32 v34, $0xD;
	v39 =	vld [tilespmem:s31+$0x8400]  }
0xc7: {  	v35 =	vadd.f32 $1.000000000e+00, v35;
	v34 =	vand.u32 $0x3F0, v34;
	v27 =	vadd.f32 $1.000000000e+00, v27;
	[tilespmem:v21+s17+$0x0] =	vst.idx.add.f32.msk $0xffff, v2  }
0xc8: {  	v30 =	vadd.f32 $1.000000000e+00, v30;
	v21 =	vor.u32 v19, v34;
	v34 =	vadd.f32 $1.000000000e+00, v36;
	[tilespmem:v26+s17+$0x0] =	vst.idx.add.f32.msk $0xffff, v2  }
0xc9: {  	v36 =	vadd.f32 $1.000000000e+00, v24;
	v24 =	vshrl.u32 v35, $0xD;
	v26 =	vadd.f32 $1.000000000e+00, v37;
	[tilespmem:v22+s17+$0x0] =	vst.idx.add.f32.msk $0xffff, v2  }
0xca: {  	v24 =	vand.u32 $0x3F0, v24;
	v22 =	vshrl.u32 v34, $0xD;
	v34 =	vadd.f32 $1.000000000e+00, v38;
	[tilespmem:v20+s17+$0x0] =	vst.idx.add.f32.msk $0xffff, v2  }
0xcb: {  	v35 =	vor.u32 v19, v24;
	v24 =	vadd.f32 $1.000000000e+00, v29;
	v20 =	vand.u32 $0x3F0, v22;
	[tilespmem:v25+s17+$0x0] =	vst.idx.add.f32.msk $0xffff, v2  }
0xcc: {  	v25 =	vshrl.u32 v26, $0xD;
	v22 =	vadd.f32 $1.000000000e+00, v31;
	v34 =	vshrl.u32 v34, $0xD;
	[tilespmem:v23+s17+$0x0] =	vst.idx.add.f32.msk $0xffff, v2  }
0xcd: {  	v31 =	vor.u32 v19, v20;
	v20 =	vshrl.u32 v27, $0xD;
	v23 =	vshrl.u32 v24, $0xD;
	[tilespmem:v28+s17+$0x0] =	vst.idx.add.f32.msk $0xffff, v2  }
.Ltmp3:
0xce: {  	v28 =	vand.u32 $0x3F0, v25;
	v20 =	vand.u32 $0x3F0, v20;
	v24 =	vand.u32 $0x3F0, v23;
	v26 =	vld [tilespmem:s31+$0x8030];
	(pc) =	sbr.rel @p1 .LBB2_8-.Ltmp3, $4  }
0xcf: {  	v23 =	vshrl.u32 v32, $0xD;
	v29 =	vor.u32 v19, v20;
	v24 =	vor.u32 v19, v24;
	v27 =	vld [tilespmem:s31+$0x8060]  }
0xd0: {  	v36 =	vshrl.u32 v36, $0xD;
	v20 =	vshrl.u32 v30, $0xD;
	v30 =	vadd.f32 $1.000000000e+00, v39;
	v25 =	vld [tilespmem:s31+$0x8010]  }
0xd1: {  	v32 =	vand.u32 $0x3F0, v34;
	v34 =	vshrl.u32 v33, $0xD;
	v20 =	vand.u32 $0x3F0, v20;
	[tilespmem:v35+s17+$0x0] =	vst.idx.add.f32.msk $0xffff, v2  }
0xd2: {  	s28 =	sadd.s32 $0x40, s28;
	s29 =	sadd.s32 $0x800, s29;
	s30 =	sadd.s32 $0x100, s30;
	v33 =	vand.u32 $0x3F0, v36;
	v20 =	vor.u32 v19, v20;
	[tilespmem:v31+s17+$0x0] =	vst.idx.add.f32.msk $0xffff, v2;
	v31 =	vand.u32 $0x3F0, v34  }
0xd3: {  	_ =	sdelay $0x2  }
0xd4: {  	v26 =	vadd.f32 $1.000000000e+00, v26;
	v32 =	vor.u32 v19, v32  }
0xd5: {  	v30 =	vshrl.u32 v30, $0xD;
	v33 =	vor.u32 v19, v33;
	[tilespmem:v21+s17+$0x0] =	vst.idx.add.f32.msk $0xffff, v2;
	v28 =	vor.u32 v19, v28  }
0xd6: {  	[tilespmem:v29+s17+$0x0] =	vst.idx.add.f32.msk $0xffff, v2;
	v22 =	vshrl.u32 v22, $0xD;
	v62 =	vand.u32 $0x3F0, v23;
	v27 =	vadd.f32 $1.000000000e+00, v27  }
0xd7: {  	[tilespmem:v24+s17+$0x0] =	vst.idx.add.f32.msk $0xffff, v2;
	v30 =	vand.u32 $0x3F0, v30;
	v22 =	vand.u32 $0x3F0, v22;
	v21 =	vor.u32 v19, v62  }
0xd8: {  	[tilespmem:v20+s17+$0x0] =	vst.idx.add.f32.msk $0xffff, v2;
	v60 =	vor.u32 v19, v30;
	v26 =	vshrl.u32 v26, $0xD;
	v25 =	vadd.f32 $1.000000000e+00, v25  }
0xd9: {  	v22 =	vor.u32 v19, v22;
	v27 =	vshrl.u32 v27, $0xD;
	v61 =	vand.u32 $0x3F0, v26;
	[tilespmem:v32+s17+$0x0] =	vst.idx.add.f32.msk $0xffff, v2  }
0xda: {  	v27 =	vand.u32 $0x3F0, v27;
	v24 =	vor.u32 v19, v61;
	v25 =	vshrl.u32 v25, $0xD;
	[tilespmem:v33+s17+$0x0] =	vst.idx.add.f32.msk $0xffff, v2  }
0xdb: {  	v27 =	vor.u32 v19, v27;
	v25 =	vand.u32 $0x3F0, v25;
	[tilespmem:v28+s17+$0x0] =	vst.idx.add.f32.msk $0xffff, v2  }
0xdc: {  	v63 =	vor.u32 v19, v25;
	[tilespmem:v21+s17+$0x0] =	vst.idx.add.f32.msk $0xffff, v2  }
0xdd: {  	p1 =	sne.s32 s24, $0xB;
	v19 =	vor.u32 v19, v31;
	[tilespmem:v60+s17+$0x0] =	vst.idx.add.f32.msk $0xffff, v2  }
.Ltmp4:
0xde: {  	[tilespmem:v22+s17+$0x0] =	vst.idx.add.f32.msk $0xffff, v2;
	(pc) =	sbr.rel @!p1 .LBB2_10-.Ltmp4, $4  }
0xdf: {  	[tilespmem:v24+s17+$0x0] =	vst.idx.add.f32.msk $0xffff, v2  }
0xe0: {  	[tilespmem:v27+s17+$0x0] =	vst.idx.add.f32.msk $0xffff, v2  }
0xe1: {  	[tilespmem:v63+s17+$0x0] =	vst.idx.add.f32.msk $0xffff, v2  }
0xe2: {  	[tilespmem:v19+s17+$0x0] =	vst.idx.add.f32.msk $0xffff, v2  }
.Ltmp5:
0xe3: {  	(pc) =	sbr.rel .LBB2_5-.Ltmp5, $4  }
0xe4: {  	s2 =	sadd.s32 s25, s12  }
0xe5: {  	s2 =	sshrl.u32 s2, $0x3  }
0xe6: {  	s24 =	sadd.s32 $0x1, s24;
	s2 =	sadd.s32 s0, s2  }
0xe7: {  	[tilespmem:s15], [sflag:$0x2] =	stream.linear.gather [hbm4b:s2+s4], $0x8000, $0x38;
	[tilespmem:$0x10D00] =	vst v63  }
.LBB2_15:
0xe8: {  	[tilespmem:s24], [sflag:$0x1] =	stream.linear.gather [hbm4b:s5+s24], $0x8000, $0x38;
	[tilespmem:$0x10D00] =	vst v63  }
0xe9: {  	s25 =	simm.s32 $0x40;
	s26 =	simm.s32 $0x0  }
0xea: {  	[tilespmem:s15], [sflag:$0x2] =	stream.linear.gather [hbm4b:s6+s24], $0x8000, $0x38;
	[tilespmem:$0x10D00] =	vst v63  }
.LBB2_16:
0xeb: {  	p1 =	sne.s32 s25, $0x2FC0;
	[tilespmem:s26+$0x10000] =	vst v0;
	s2 =	smov.u32 s25;
	s25 =	sadd.s32 $0x40, s25  }
.Ltmp6:
0xec: {  	(pc) =	sbr.rel @p1 .LBB2_16-.Ltmp6, $2  }
0xed: {  	_ =	sdelay $0x2  }
0xee: {  	s26 =	sshra.s32 s2, $0x2  }
0xef: {  	[tilespmem:s26+$0x10000] =	vst v0  }
.LBB2_18:
0xf0: {  	s2 =	simm.s32 $0x0  }
0xf1: {  	_ =	swait.ge [sflag:s16], $0x8000;
	s3 =	sand.u32 $0x7000, s2;
	s25 =	sand.u32 $0x800, s2  }
0xf2: {  	[sflag:s16] =	ssyncset.done $0x0;
	s2 =	sand.u32 $0x380, s2;
	s3 =	sor.u32 s25, s3  }
0xf3: {  	[sflag:s16] =	ssyncadd.s32 $0xFFFF8000;
	s2 =	sor.u32 s2, s3  }
0xf4: {  	v20 =	vld [tilespmem:s2+$0x420]  }
0xf5: {  	v21 =	vld [tilespmem:s2+$0x0]  }
0xf6: {  	v22 =	vld [tilespmem:s2+$0x470]  }
0xf7: {  	v19 =	vld [tilespmem:s2+$0x40]  }
0xf8: {  	v23 =	vld [tilespmem:s2+$0x20]  }
0xf9: {  	v24 =	vld [tilespmem:s2+$0x440]  }
0xfa: {  	v25 =	vld [tilespmem:s2+$0x430]  }
0xfb: {  	v26 =	vld [tilespmem:s2+$0x70]  }
0xfc: {  	v28 =	vld [tilespmem:s2+$0x50]  }
0xfd: {  	v29 =	vld [tilespmem:s2+$0x410];
	v27 =	vadd.f32 $1.000000000e+00, v19  }
0xfe: {  	s31 =	sshll.u32 s24, $0x8;
	v31 =	vadd.f32 $1.000000000e+00, v21;
	v33 =	vadd.f32 $1.000000000e+00, v22  }
0xff: {  	s3 =	sand.u32 $0xC00, s31;
	v25 =	vadd.f32 $1.000000000e+00, v25;
	v24 =	vadd.f32 $1.000000000e+00, v24  }
0x100: {  	v30 =	vld [tilespmem:s2+$0x460];
	v19 =	vor.u32 s3, v1;
	v32 =	vadd.f32 $1.000000000e+00, v23;
	v23 =	vadd.f32 $1.000000000e+00, v26  }
0x101: {  	v26 =	vadd.f32 $1.000000000e+00, v28;
	v20 =	vadd.f32 $1.000000000e+00, v20;
	v21 =	vshrl.u32 v27, $0xD  }
0x102: {  	v34 =	vld [tilespmem:s2+$0x400];
	v24 =	vshrl.u32 v24, $0xD;
	v23 =	vshrl.u32 v23, $0xD;
	v27 =	vadd.f32 $1.000000000e+00, v29  }
0x103: {  	v22 =	vld [tilespmem:s2+$0x450];
	v28 =	vshrl.u32 v26, $0xD;
	v63 =	vshrl.u32 v20, $0xD;
	v21 =	vand.u32 $0x3F0, v21  }
0x104: {  	v24 =	vand.u32 $0x3F0, v24;
	v23 =	vand.u32 $0x3F0, v23;
	v28 =	vand.u32 $0x3F0, v28  }
0x105: {  	v21 =	vor.u32 v19, v21;
	v35 =	vor.u32 v19, v24;
	v24 =	vadd.f32 $1.000000000e+00, v30  }
0x106: {  	v36 =	vshrl.u32 v27, $0xD;
	v37 =	vor.u32 v19, v23;
	v23 =	vshrl.u32 v25, $0xD  }
0x107: {  	v26 =	vld [tilespmem:s2+$0x30];
	v30 =	vadd.f32 $1.000000000e+00, v34;
	v25 =	vand.u32 $0x3F0, v23;
	v24 =	vshrl.u32 v24, $0xD  }
0x108: {  	v27 =	vld [tilespmem:s2+$0x60];
	v22 =	vadd.f32 $1.000000000e+00, v22;
	v29 =	vor.u32 v19, v25;
	v24 =	vand.u32 $0x3F0, v24  }
0x109: {  	v23 =	vshrl.u32 v31, $0xD;
	v31 =	vshrl.u32 v32, $0xD;
	v25 =	vld [tilespmem:s2+$0x10];
	v24 =	vor.u32 v19, v24  }
0x10a: {  	s26 =	simm.s32 $0x40;
	v32 =	vand.u32 $0x3F0, v36;
	v20 =	vand.u32 $0x3F0, v31;
	v31 =	vshrl.u32 v33, $0xD;
	[tilespmem:v35+s17+$0x0] =	vst.idx.add.f32.msk $0xffff, v2  }
0x10b: {  	s28 =	simm.s32 $0x800;
	s29 =	simm.s32 $0x100;
	s25 =	simm.s32 $0x0;
	v33 =	vand.u32 $0x3F0, v63;
	v20 =	vor.u32 v19, v20;
	v31 =	vand.u32 $0x3F0, v31;
	[tilespmem:v37+s17+$0x0] =	vst.idx.add.f32.msk $0xffff, v2  }
.LBB2_19:
0x10c: {  	s2 =	sand.u32 $0x7000, s29;
	s3 =	sand.u32 $0x800, s28;
	s25 =	sadd.s32 $0x10, s25;
	[tilespmem:v21+s17+$0x0] =	vst.idx.add.f32.msk $0xffff, v2;
	v21 =	vor.u32 v19, v28;
	v22 =	vshrl.u32 v22, $0xD;
	v28 =	vor.u32 v19, v31  }
0x10d: {  	s30 =	sand.u32 $0x380, s26;
	v23 =	vand.u32 $0x3F0, v23;
	v26 =	vadd.f32 $1.000000000e+00, v26;
	v31 =	vor.u32 v19, v32;
	s2 =	sor.u32 s3, s2;
	p1 =	slt.u32 s25, $0x7F0;
	[tilespmem:v29+s17+$0x0] =	vst.idx.add.f32.msk $0xffff, v2  }
0x10e: {  	v29 =	vshrl.u32 v30, $0xD;
	v30 =	vor.u32 v19, v33;
	s30 =	sor.u32 s30, s2;
	v25 =	vadd.f32 $1.000000000e+00, v25;
	[tilespmem:v24+s17+$0x0] =	vst.idx.add.f32.msk $0xffff, v2  }
0x10f: {  	v27 =	vadd.f32 $1.000000000e+00, v27;
	v26 =	vshrl.u32 v26, $0xD;
	v29 =	vand.u32 $0x3F0, v29;
	v24 =	vld [tilespmem:s30+$0x420]  }
0x110: {  	v23 =	vor.u32 v19, v23;
	v29 =	vor.u32 v19, v29;
	v32 =	vld [tilespmem:s30+$0x0];
	v25 =	vshrl.u32 v25, $0xD  }
0x111: {  	v26 =	vand.u32 $0x3F0, v26;
	v27 =	vshrl.u32 v27, $0xD;
	v33 =	vld [tilespmem:s30+$0x470];
	v25 =	vand.u32 $0x3F0, v25  }
0x112: {  	v27 =	vand.u32 $0x3F0, v27;
	v25 =	vor.u32 v19, v25;
	[tilespmem:v31+s17+$0x0] =	vst.idx.add.f32.msk $0xffff, v2  }
0x113: {  	v27 =	vor.u32 v19, v27;
	v31 =	vld [tilespmem:s30+$0x450]  }
0x114: {  	[tilespmem:v30+s17+$0x0] =	vst.idx.add.f32.msk $0xffff, v2  }
0x115: {  	v30 =	vld [tilespmem:s30+$0x20]  }
0x116: {  	[tilespmem:v29+s17+$0x0] =	vst.idx.add.f32.msk $0xffff, v2  }
0x117: {  	v29 =	vld [tilespmem:s30+$0x460]  }
0x118: {  	v26 =	vor.u32 v19, v26;
	v34 =	vld [tilespmem:s30+$0x40]  }
0x119: {  	v35 =	vld [tilespmem:s30+$0x440]  }
0x11a: {  	[tilespmem:v27+s17+$0x0] =	vst.idx.add.f32.msk $0xffff, v2  }
0x11b: {  	v27 =	vld [tilespmem:s30+$0x430]  }
0x11c: {  	v22 =	vand.u32 $0x3F0, v22;
	v36 =	vld [tilespmem:s30+$0x70]  }
0x11d: {  	v22 =	vor.u32 v19, v22;
	v34 =	vadd.f32 $1.000000000e+00, v34;
	v37 =	vld [tilespmem:s30+$0x50]  }
0x11e: {  	v38 =	vld [tilespmem:s30+$0x410]  }
0x11f: {  	v32 =	vadd.f32 $1.000000000e+00, v32;
	v33 =	vadd.f32 $1.000000000e+00, v33;
	v34 =	vshrl.u32 v34, $0xD;
	v39 =	vld [tilespmem:s30+$0x400]  }
0x120: {  	v35 =	vadd.f32 $1.000000000e+00, v35;
	v34 =	vand.u32 $0x3F0, v34;
	v27 =	vadd.f32 $1.000000000e+00, v27;
	[tilespmem:v21+s17+$0x0] =	vst.idx.add.f32.msk $0xffff, v2  }
0x121: {  	v30 =	vadd.f32 $1.000000000e+00, v30;
	v21 =	vor.u32 v19, v34;
	v34 =	vadd.f32 $1.000000000e+00, v36;
	[tilespmem:v26+s17+$0x0] =	vst.idx.add.f32.msk $0xffff, v2  }
0x122: {  	v36 =	vadd.f32 $1.000000000e+00, v24;
	v24 =	vshrl.u32 v35, $0xD;
	v26 =	vadd.f32 $1.000000000e+00, v37;
	[tilespmem:v22+s17+$0x0] =	vst.idx.add.f32.msk $0xffff, v2  }
0x123: {  	v24 =	vand.u32 $0x3F0, v24;
	v22 =	vshrl.u32 v34, $0xD;
	v34 =	vadd.f32 $1.000000000e+00, v38;
	[tilespmem:v20+s17+$0x0] =	vst.idx.add.f32.msk $0xffff, v2  }
0x124: {  	v35 =	vor.u32 v19, v24;
	v24 =	vadd.f32 $1.000000000e+00, v29;
	v20 =	vand.u32 $0x3F0, v22;
	[tilespmem:v25+s17+$0x0] =	vst.idx.add.f32.msk $0xffff, v2  }
0x125: {  	v25 =	vshrl.u32 v26, $0xD;
	v22 =	vadd.f32 $1.000000000e+00, v31;
	v34 =	vshrl.u32 v34, $0xD;
	[tilespmem:v23+s17+$0x0] =	vst.idx.add.f32.msk $0xffff, v2  }
0x126: {  	v31 =	vor.u32 v19, v20;
	v20 =	vshrl.u32 v27, $0xD;
	v23 =	vshrl.u32 v24, $0xD;
	[tilespmem:v28+s17+$0x0] =	vst.idx.add.f32.msk $0xffff, v2  }
.Ltmp7:
0x127: {  	v28 =	vand.u32 $0x3F0, v25;
	v20 =	vand.u32 $0x3F0, v20;
	v24 =	vand.u32 $0x3F0, v23;
	v26 =	vld [tilespmem:s30+$0x30];
	(pc) =	sbr.rel @p1 .LBB2_19-.Ltmp7, $4  }
0x128: {  	v23 =	vshrl.u32 v32, $0xD;
	v29 =	vor.u32 v19, v20;
	v24 =	vor.u32 v19, v24;
	v27 =	vld [tilespmem:s30+$0x60]  }
0x129: {  	v36 =	vshrl.u32 v36, $0xD;
	v20 =	vshrl.u32 v30, $0xD;
	v30 =	vadd.f32 $1.000000000e+00, v39;
	v25 =	vld [tilespmem:s30+$0x10]  }
0x12a: {  	v32 =	vand.u32 $0x3F0, v34;
	v34 =	vshrl.u32 v33, $0xD;
	v20 =	vand.u32 $0x3F0, v20;
	[tilespmem:v35+s17+$0x0] =	vst.idx.add.f32.msk $0xffff, v2  }
0x12b: {  	s26 =	sadd.s32 $0x40, s26;
	s28 =	sadd.s32 $0x800, s28;
	s29 =	sadd.s32 $0x100, s29;
	v33 =	vand.u32 $0x3F0, v36;
	v20 =	vor.u32 v19, v20;
	[tilespmem:v31+s17+$0x0] =	vst.idx.add.f32.msk $0xffff, v2;
	v31 =	vand.u32 $0x3F0, v34  }
0x12c: {  	_ =	sdelay $0x2  }
0x12d: {  	v26 =	vadd.f32 $1.000000000e+00, v26;
	v32 =	vor.u32 v19, v32;
	v30 =	vshrl.u32 v30, $0xD  }
0x12e: {  	v33 =	vor.u32 v19, v33;
	[tilespmem:v21+s17+$0x0] =	vst.idx.add.f32.msk $0xffff, v2;
	v28 =	vor.u32 v19, v28;
	v30 =	vand.u32 $0x3F0, v30  }
0x12f: {  	[tilespmem:v29+s17+$0x0] =	vst.idx.add.f32.msk $0xffff, v2;
	v22 =	vshrl.u32 v22, $0xD;
	v27 =	vadd.f32 $1.000000000e+00, v27;
	v21 =	vor.u32 v19, v30  }
0x130: {  	[tilespmem:v24+s17+$0x0] =	vst.idx.add.f32.msk $0xffff, v2;
	v22 =	vand.u32 $0x3F0, v22;
	v26 =	vshrl.u32 v26, $0xD;
	v25 =	vadd.f32 $1.000000000e+00, v25  }
0x131: {  	[tilespmem:v20+s17+$0x0] =	vst.idx.add.f32.msk $0xffff, v2;
	v22 =	vor.u32 v19, v22;
	v27 =	vshrl.u32 v27, $0xD;
	v24 =	vand.u32 $0x3F0, v26  }
0x132: {  	v27 =	vand.u32 $0x3F0, v27;
	v24 =	vor.u32 v19, v24;
	v25 =	vshrl.u32 v25, $0xD;
	[tilespmem:v32+s17+$0x0] =	vst.idx.add.f32.msk $0xffff, v2  }
0x133: {  	v27 =	vor.u32 v19, v27;
	[tilespmem:v33+s17+$0x0] =	vst.idx.add.f32.msk $0xffff, v2;
	v25 =	vand.u32 $0x3F0, v25  }
0x134: {  	[tilespmem:v21+s17+$0x0] =	vst.idx.add.f32.msk $0xffff, v2;
	v21 =	vand.u32 $0x3F0, v23;
	v23 =	vor.u32 v19, v25  }
0x135: {  	[tilespmem:v28+s17+$0x0] =	vst.idx.add.f32.msk $0xffff, v2;
	v25 =	vor.u32 v19, v31  }
0x136: {  	[tilespmem:v22+s17+$0x0] =	vst.idx.add.f32.msk $0xffff, v2;
	v21 =	vor.u32 v19, v21  }
0x137: {  	[tilespmem:v24+s17+$0x0] =	vst.idx.add.f32.msk $0xffff, v2  }
0x138: {  	s25 =	sshll.u32 s24, $0x10;
	p1 =	seq.s32 s24, $0xB;
	[tilespmem:v27+s17+$0x0] =	vst.idx.add.f32.msk $0xffff, v2  }
0x139: {  	s2 =	sadd.s32 @!p1 s25, s7;
	[tilespmem:v23+s17+$0x0] =	vst.idx.add.f32.msk $0xffff, v2  }
0x13a: {  	s2 =	sshrl.u32 @!p1 s2, $0x3;
	[tilespmem:v25+s17+$0x0] =	vst.idx.add.f32.msk $0xffff, v2  }
0x13b: {  	s3 =	simm.s32 @!p1 $0x0;
	s2 =	sadd.s32 @!p1 s1, s2;
	[tilespmem:v21+s17+$0x0] =	vst.idx.add.f32.msk $0xffff, v2  }
0x13c: {  	[tilespmem:s3], [sflag:$0x1] =	stream.linear.gather @!p1 [hbm4b:s2+s3], $0x8000, $0x38;
	[tilespmem:$0x10D00] =	vst v63  }
0x13d: {  	s3 =	simm.s32 $0x0  }
0x13e: {  	_ =	swait.ge [sflag:s18], $0x8000;
	s31 =	sand.u32 $0x7000, s3;
	s26 =	sand.u32 $0x800, s3  }
0x13f: {  	s2 =	sand.u32 $0x380, s3;
	[sflag:s18] =	ssyncset.done $0x0;
	s3 =	sor.u32 s26, s31  }
0x140: {  	[sflag:s18] =	ssyncadd.s32 $0xFFFF8000;
	s2 =	sor.u32 s2, s3  }
0x141: {  	v20 =	vld [tilespmem:s2+$0x8420]  }
0x142: {  	v21 =	vld [tilespmem:s2+$0x8000]  }
0x143: {  	v22 =	vld [tilespmem:s2+$0x8470]  }
0x144: {  	v23 =	vld [tilespmem:s2+$0x8040]  }
0x145: {  	v24 =	vld [tilespmem:s2+$0x8020]  }
0x146: {  	v25 =	vld [tilespmem:s2+$0x8440]  }
0x147: {  	v26 =	vld [tilespmem:s2+$0x8430]  }
0x148: {  	v27 =	vld [tilespmem:s2+$0x8070]  }
0x149: {  	v29 =	vld [tilespmem:s2+$0x8410]  }
0x14a: {  	v28 =	vld [tilespmem:s2+$0x8050];
	v23 =	vadd.f32 $1.000000000e+00, v23  }
0x14b: {  	v31 =	vadd.f32 $1.000000000e+00, v21;
	v61 =	vadd.f32 $1.000000000e+00, v22  }
0x14c: {  	v25 =	vadd.f32 $1.000000000e+00, v25;
	v62 =	vadd.f32 $1.000000000e+00, v24  }
0x14d: {  	v30 =	vld [tilespmem:s2+$0x8460];
	v24 =	vadd.f32 $1.000000000e+00, v27;
	v20 =	vadd.f32 $1.000000000e+00, v20  }
0x14e: {  	v27 =	vadd.f32 $1.000000000e+00, v29;
	v21 =	vshrl.u32 v23, $0xD;
	v23 =	vadd.f32 $1.000000000e+00, v26  }
0x14f: {  	v26 =	vadd.f32 $1.000000000e+00, v28;
	v25 =	vshrl.u32 v25, $0xD;
	v24 =	vshrl.u32 v24, $0xD  }
0x150: {  	v34 =	vld [tilespmem:s2+$0x8400];
	v36 =	vshrl.u32 v27, $0xD;
	v63 =	vshrl.u32 v20, $0xD;
	v21 =	vand.u32 $0x3F0, v21  }
0x151: {  	v25 =	vand.u32 $0x3F0, v25;
	v24 =	vand.u32 $0x3F0, v24;
	v32 =	vand.u32 $0x3F0, v36  }
0x152: {  	v22 =	vld [tilespmem:s2+$0x8450];
	v33 =	vand.u32 $0x3F0, v63;
	v35 =	vor.u32 v19, v25;
	v25 =	vadd.f32 $1.000000000e+00, v30  }
0x153: {  	v21 =	vor.u32 v19, v21;
	v37 =	vor.u32 v19, v24;
	v23 =	vshrl.u32 v23, $0xD  }
0x154: {  	v27 =	vld [tilespmem:s2+$0x8060];
	v28 =	vshrl.u32 v26, $0xD;
	v24 =	vshrl.u32 v25, $0xD;
	v25 =	vand.u32 $0x3F0, v23  }
0x155: {  	v26 =	vld [tilespmem:s2+$0x8030];
	v30 =	vadd.f32 $1.000000000e+00, v34;
	v24 =	vand.u32 $0x3F0, v24;
	v29 =	vor.u32 v19, v25  }
0x156: {  	v23 =	vshrl.u32 v31, $0xD;
	v31 =	vshrl.u32 v62, $0xD;
	v25 =	vld [tilespmem:s2+$0x8010];
	v24 =	vor.u32 v19, v24  }
0x157: {  	s28 =	simm.s32 $0x40;
	v22 =	vadd.f32 $1.000000000e+00, v22;
	v20 =	vand.u32 $0x3F0, v31;
	v31 =	vshrl.u32 v61, $0xD;
	[tilespmem:v35+s17+$0x0] =	vst.idx.add.f32.msk $0xffff, v2  }
0x158: {  	s29 =	simm.s32 $0x800;
	s30 =	simm.s32 $0x100;
	s26 =	simm.s32 $0x0;
	v28 =	vand.u32 $0x3F0, v28;
	v20 =	vor.u32 v19, v20;
	v31 =	vand.u32 $0x3F0, v31;
	[tilespmem:v37+s17+$0x0] =	vst.idx.add.f32.msk $0xffff, v2  }
.LBB2_21:
0x159: {  	s2 =	sand.u32 $0x7000, s30;
	s3 =	sand.u32 $0x800, s29;
	s26 =	sadd.s32 $0x10, s26;
	[tilespmem:v21+s17+$0x0] =	vst.idx.add.f32.msk $0xffff, v2;
	v21 =	vor.u32 v19, v28;
	v22 =	vshrl.u32 v22, $0xD;
	v28 =	vor.u32 v19, v31  }
0x15a: {  	s31 =	sand.u32 $0x380, s28;
	v23 =	vand.u32 $0x3F0, v23;
	v26 =	vadd.f32 $1.000000000e+00, v26;
	v31 =	vor.u32 v19, v32;
	s2 =	sor.u32 s3, s2;
	p2 =	slt.u32 s26, $0x7F0;
	[tilespmem:v29+s17+$0x0] =	vst.idx.add.f32.msk $0xffff, v2  }
0x15b: {  	v29 =	vshrl.u32 v30, $0xD;
	v30 =	vor.u32 v19, v33;
	s31 =	sor.u32 s31, s2;
	v25 =	vadd.f32 $1.000000000e+00, v25;
	[tilespmem:v24+s17+$0x0] =	vst.idx.add.f32.msk $0xffff, v2  }
0x15c: {  	v27 =	vadd.f32 $1.000000000e+00, v27;
	v26 =	vshrl.u32 v26, $0xD;
	v29 =	vand.u32 $0x3F0, v29;
	v24 =	vld [tilespmem:s31+$0x8420]  }
0x15d: {  	v23 =	vor.u32 v19, v23;
	v29 =	vor.u32 v19, v29;
	v32 =	vld [tilespmem:s31+$0x8000];
	v25 =	vshrl.u32 v25, $0xD  }
0x15e: {  	v26 =	vand.u32 $0x3F0, v26;
	v27 =	vshrl.u32 v27, $0xD;
	v33 =	vld [tilespmem:s31+$0x8470];
	v25 =	vand.u32 $0x3F0, v25  }
0x15f: {  	v27 =	vand.u32 $0x3F0, v27;
	v25 =	vor.u32 v19, v25;
	[tilespmem:v31+s17+$0x0] =	vst.idx.add.f32.msk $0xffff, v2  }
0x160: {  	v27 =	vor.u32 v19, v27;
	v31 =	vld [tilespmem:s31+$0x8450]  }
0x161: {  	[tilespmem:v30+s17+$0x0] =	vst.idx.add.f32.msk $0xffff, v2  }
0x162: {  	v30 =	vld [tilespmem:s31+$0x8020]  }
0x163: {  	[tilespmem:v29+s17+$0x0] =	vst.idx.add.f32.msk $0xffff, v2  }
0x164: {  	v29 =	vld [tilespmem:s31+$0x8460]  }
0x165: {  	v26 =	vor.u32 v19, v26;
	v34 =	vld [tilespmem:s31+$0x8040]  }
0x166: {  	v35 =	vld [tilespmem:s31+$0x8440]  }
0x167: {  	[tilespmem:v27+s17+$0x0] =	vst.idx.add.f32.msk $0xffff, v2  }
0x168: {  	v27 =	vld [tilespmem:s31+$0x8430]  }
0x169: {  	v22 =	vand.u32 $0x3F0, v22;
	v36 =	vld [tilespmem:s31+$0x8070]  }
0x16a: {  	v22 =	vor.u32 v19, v22;
	v34 =	vadd.f32 $1.000000000e+00, v34;
	v37 =	vld [tilespmem:s31+$0x8050]  }
0x16b: {  	v38 =	vld [tilespmem:s31+$0x8410]  }
0x16c: {  	v32 =	vadd.f32 $1.000000000e+00, v32;
	v33 =	vadd.f32 $1.000000000e+00, v33;
	v34 =	vshrl.u32 v34, $0xD;
	v39 =	vld [tilespmem:s31+$0x8400]  }
0x16d: {  	v35 =	vadd.f32 $1.000000000e+00, v35;
	v34 =	vand.u32 $0x3F0, v34;
	v27 =	vadd.f32 $1.000000000e+00, v27;
	[tilespmem:v21+s17+$0x0] =	vst.idx.add.f32.msk $0xffff, v2  }
0x16e: {  	v30 =	vadd.f32 $1.000000000e+00, v30;
	v21 =	vor.u32 v19, v34;
	v34 =	vadd.f32 $1.000000000e+00, v36;
	[tilespmem:v26+s17+$0x0] =	vst.idx.add.f32.msk $0xffff, v2  }
0x16f: {  	v36 =	vadd.f32 $1.000000000e+00, v24;
	v24 =	vshrl.u32 v35, $0xD;
	v26 =	vadd.f32 $1.000000000e+00, v37;
	[tilespmem:v22+s17+$0x0] =	vst.idx.add.f32.msk $0xffff, v2  }
0x170: {  	v24 =	vand.u32 $0x3F0, v24;
	v22 =	vshrl.u32 v34, $0xD;
	v34 =	vadd.f32 $1.000000000e+00, v38;
	[tilespmem:v20+s17+$0x0] =	vst.idx.add.f32.msk $0xffff, v2  }
0x171: {  	v35 =	vor.u32 v19, v24;
	v24 =	vadd.f32 $1.000000000e+00, v29;
	v20 =	vand.u32 $0x3F0, v22;
	[tilespmem:v25+s17+$0x0] =	vst.idx.add.f32.msk $0xffff, v2  }
0x172: {  	v25 =	vshrl.u32 v26, $0xD;
	v22 =	vadd.f32 $1.000000000e+00, v31;
	v34 =	vshrl.u32 v34, $0xD;
	[tilespmem:v23+s17+$0x0] =	vst.idx.add.f32.msk $0xffff, v2  }
0x173: {  	v31 =	vor.u32 v19, v20;
	v20 =	vshrl.u32 v27, $0xD;
	v23 =	vshrl.u32 v24, $0xD;
	[tilespmem:v28+s17+$0x0] =	vst.idx.add.f32.msk $0xffff, v2  }
.Ltmp8:
0x174: {  	v28 =	vand.u32 $0x3F0, v25;
	v20 =	vand.u32 $0x3F0, v20;
	v24 =	vand.u32 $0x3F0, v23;
	v26 =	vld [tilespmem:s31+$0x8030];
	(pc) =	sbr.rel @p2 .LBB2_21-.Ltmp8, $4  }
0x175: {  	v23 =	vshrl.u32 v32, $0xD;
	v29 =	vor.u32 v19, v20;
	v24 =	vor.u32 v19, v24;
	v27 =	vld [tilespmem:s31+$0x8060]  }
0x176: {  	v36 =	vshrl.u32 v36, $0xD;
	v20 =	vshrl.u32 v30, $0xD;
	v30 =	vadd.f32 $1.000000000e+00, v39;
	v25 =	vld [tilespmem:s31+$0x8010]  }
0x177: {  	v32 =	vand.u32 $0x3F0, v34;
	v34 =	vshrl.u32 v33, $0xD;
	v20 =	vand.u32 $0x3F0, v20;
	[tilespmem:v35+s17+$0x0] =	vst.idx.add.f32.msk $0xffff, v2  }
0x178: {  	s28 =	sadd.s32 $0x40, s28;
	s29 =	sadd.s32 $0x800, s29;
	s30 =	sadd.s32 $0x100, s30;
	v33 =	vand.u32 $0x3F0, v36;
	v20 =	vor.u32 v19, v20;
	[tilespmem:v31+s17+$0x0] =	vst.idx.add.f32.msk $0xffff, v2;
	v31 =	vand.u32 $0x3F0, v34  }
0x179: {  	_ =	sdelay $0x2  }
0x17a: {  	v26 =	vadd.f32 $1.000000000e+00, v26;
	v32 =	vor.u32 v19, v32  }
0x17b: {  	v30 =	vshrl.u32 v30, $0xD;
	v33 =	vor.u32 v19, v33;
	[tilespmem:v21+s17+$0x0] =	vst.idx.add.f32.msk $0xffff, v2;
	v28 =	vor.u32 v19, v28  }
0x17c: {  	[tilespmem:v29+s17+$0x0] =	vst.idx.add.f32.msk $0xffff, v2;
	v22 =	vshrl.u32 v22, $0xD;
	v62 =	vand.u32 $0x3F0, v23;
	v27 =	vadd.f32 $1.000000000e+00, v27  }
0x17d: {  	[tilespmem:v24+s17+$0x0] =	vst.idx.add.f32.msk $0xffff, v2;
	v30 =	vand.u32 $0x3F0, v30;
	v22 =	vand.u32 $0x3F0, v22;
	v21 =	vor.u32 v19, v62  }
0x17e: {  	[tilespmem:v20+s17+$0x0] =	vst.idx.add.f32.msk $0xffff, v2;
	v60 =	vor.u32 v19, v30;
	v26 =	vshrl.u32 v26, $0xD;
	v25 =	vadd.f32 $1.000000000e+00, v25  }
0x17f: {  	v22 =	vor.u32 v19, v22;
	v27 =	vshrl.u32 v27, $0xD;
	v61 =	vand.u32 $0x3F0, v26;
	[tilespmem:v32+s17+$0x0] =	vst.idx.add.f32.msk $0xffff, v2  }
0x180: {  	v27 =	vand.u32 $0x3F0, v27;
	v24 =	vor.u32 v19, v61;
	v25 =	vshrl.u32 v25, $0xD;
	[tilespmem:v33+s17+$0x0] =	vst.idx.add.f32.msk $0xffff, v2  }
0x181: {  	v27 =	vor.u32 v19, v27;
	v25 =	vand.u32 $0x3F0, v25;
	[tilespmem:v28+s17+$0x0] =	vst.idx.add.f32.msk $0xffff, v2  }
0x182: {  	v63 =	vor.u32 v19, v25;
	[tilespmem:v21+s17+$0x0] =	vst.idx.add.f32.msk $0xffff, v2  }
0x183: {  	v19 =	vor.u32 v19, v31;
	[tilespmem:v60+s17+$0x0] =	vst.idx.add.f32.msk $0xffff, v2  }
.Ltmp9:
0x184: {  	[tilespmem:v22+s17+$0x0] =	vst.idx.add.f32.msk $0xffff, v2;
	(pc) =	sbr.rel @p1 .LBB2_10-.Ltmp9, $4  }
0x185: {  	[tilespmem:v24+s17+$0x0] =	vst.idx.add.f32.msk $0xffff, v2  }
0x186: {  	[tilespmem:v27+s17+$0x0] =	vst.idx.add.f32.msk $0xffff, v2  }
0x187: {  	[tilespmem:v63+s17+$0x0] =	vst.idx.add.f32.msk $0xffff, v2  }
0x188: {  	[tilespmem:v19+s17+$0x0] =	vst.idx.add.f32.msk $0xffff, v2  }
.Ltmp10:
0x189: {  	(pc) =	sbr.rel .LBB2_18-.Ltmp10, $4  }
0x18a: {  	s2 =	sadd.s32 s25, s9  }
0x18b: {  	s2 =	sshrl.u32 s2, $0x3  }
0x18c: {  	s24 =	sadd.s32 $0x1, s24;
	s2 =	sadd.s32 s1, s2  }
0x18d: {  	[tilespmem:s15], [sflag:$0x2] =	stream.linear.gather [hbm4b:s2+s4], $0x8000, $0x38;
	[tilespmem:$0x10D00] =	vst v63  }
.LBB2_10:
0x18e: {  	s25 =	simm.s32 $0x0  }
0x18f: {  	v19 =	vor.u32 s25, v3;
	_ =	sdelay $0x1  }
0x190: {  	v20 =	vor.u32 s25, v4;
	_ =	sdelay $0x1  }
0x191: {  	v21 =	vor.u32 s25, v5  }
0x192: {  	v19 =	vld.idx.msk [tilespmem:v19+s17+$0x0], $0xffff  }
0x193: {  	v22 =	vor.u32 s25, v6  }
0x194: {  	v20 =	vld.idx.msk [tilespmem:v20+s17+$0x0], $0xffff  }
0x195: {  	v23 =	vor.u32 s25, v7  }
0x196: {  	v21 =	vld.idx.msk [tilespmem:v21+s17+$0x0], $0xffff  }
0x197: {  	v24 =	vor.u32 s25, v8;
	v19 =	vadd.f32 $0.0e+00, v19  }
0x198: {  	v22 =	vld.idx.msk [tilespmem:v22+s17+$0x0], $0xffff  }
0x199: {  	v25 =	vor.u32 s25, v9;
	v19 =	vadd.f32 v20, v19  }
0x19a: {  	v20 =	vld.idx.msk [tilespmem:v23+s17+$0x0], $0xffff  }
0x19b: {  	v23 =	vor.u32 s25, v10;
	v19 =	vadd.f32 v21, v19  }
0x19c: {  	v21 =	vld.idx.msk [tilespmem:v24+s17+$0x0], $0xffff  }
0x19d: {  	v51 =	vor.u32 s25, v11;
	v19 =	vadd.f32 v22, v19  }
0x19e: {  	v22 =	vld.idx.msk [tilespmem:v25+s17+$0x0], $0xffff  }
0x19f: {  	v52 =	vor.u32 s25, v12;
	v19 =	vadd.f32 v20, v19  }
0x1a0: {  	v20 =	vld.idx.msk [tilespmem:v23+s17+$0x0], $0xffff  }
0x1a1: {  	v23 =	vor.u32 s25, v13;
	v19 =	vadd.f32 v21, v19  }
0x1a2: {  	v21 =	vld.idx.msk [tilespmem:v51+s17+$0x0], $0xffff  }
0x1a3: {  	v53 =	vor.u32 s25, v14;
	v19 =	vadd.f32 v22, v19  }
0x1a4: {  	v22 =	vld.idx.msk [tilespmem:v52+s17+$0x0], $0xffff  }
0x1a5: {  	v54 =	vor.u32 s25, v15;
	v19 =	vadd.f32 v20, v19  }
0x1a6: {  	v20 =	vld.idx.msk [tilespmem:v23+s17+$0x0], $0xffff  }
0x1a7: {  	v23 =	vor.u32 s25, v16;
	v19 =	vadd.f32 v21, v19  }
0x1a8: {  	v21 =	vld.idx.msk [tilespmem:v53+s17+$0x0], $0xffff  }
0x1a9: {  	v55 =	vor.u32 s25, v17;
	v19 =	vadd.f32 v22, v19  }
0x1aa: {  	v22 =	vld.idx.msk [tilespmem:v54+s17+$0x0], $0xffff  }
0x1ab: {  	v56 =	vor.u32 s25, v18;
	v19 =	vadd.f32 v20, v19  }
0x1ac: {  	v20 =	vld.idx.msk [tilespmem:v23+s17+$0x0], $0xffff  }
0x1ad: {  	v19 =	vadd.f32 v21, v19  }
0x1ae: {  	v21 =	vld.idx.msk [tilespmem:v55+s17+$0x0], $0xffff  }
0x1af: {  	v19 =	vadd.f32 v22, v19  }
0x1b0: {  	v22 =	vld.idx.msk [tilespmem:v56+s17+$0x0], $0xffff  }
0x1b1: {  	v19 =	vadd.f32 v20, v19  }
0x1b2: {  	s2 =	simm.s32 $0x100  }
0x1b3: {  	v20 =	vor.u32 s2, v3;
	v19 =	vadd.f32 v21, v19;
	_ =	sdelay $0x1  }
0x1b4: {  	v21 =	vor.u32 s2, v4;
	v19 =	vadd.f32 v22, v19  }
0x1b5: {  	s24 =	simm.s32 $0x10C00  }
0x1b6: {  	v22 =	vor.u32 s2, v5;
	[tilespmem:s24+$0x0] =	vst v19  }
0x1b7: {  	v19 =	vld.idx.msk [tilespmem:v20+s17+$0x0], $0xffff  }
0x1b8: {  	v20 =	vor.u32 s2, v6  }
0x1b9: {  	v21 =	vld.idx.msk [tilespmem:v21+s17+$0x0], $0xffff  }
0x1ba: {  	v23 =	vor.u32 s2, v7  }
0x1bb: {  	v22 =	vld.idx.msk [tilespmem:v22+s17+$0x0], $0xffff  }
0x1bc: {  	v57 =	vor.u32 s2, v8;
	v19 =	vadd.f32 $0.0e+00, v19  }
0x1bd: {  	v20 =	vld.idx.msk [tilespmem:v20+s17+$0x0], $0xffff  }
0x1be: {  	v58 =	vor.u32 s2, v9;
	v19 =	vadd.f32 v21, v19  }
0x1bf: {  	v21 =	vld.idx.msk [tilespmem:v23+s17+$0x0], $0xffff  }
0x1c0: {  	v23 =	vor.u32 s2, v10;
	v19 =	vadd.f32 v22, v19  }
0x1c1: {  	v22 =	vld.idx.msk [tilespmem:v57+s17+$0x0], $0xffff  }
0x1c2: {  	v59 =	vor.u32 s2, v11;
	v19 =	vadd.f32 v20, v19  }
0x1c3: {  	v20 =	vld.idx.msk [tilespmem:v58+s17+$0x0], $0xffff  }
0x1c4: {  	v60 =	vor.u32 s2, v12;
	v19 =	vadd.f32 v21, v19  }
0x1c5: {  	v21 =	vld.idx.msk [tilespmem:v23+s17+$0x0], $0xffff  }
0x1c6: {  	v23 =	vor.u32 s2, v13;
	v19 =	vadd.f32 v22, v19  }
0x1c7: {  	v22 =	vld.idx.msk [tilespmem:v59+s17+$0x0], $0xffff  }
0x1c8: {  	v61 =	vor.u32 s2, v14;
	v19 =	vadd.f32 v20, v19  }
0x1c9: {  	v20 =	vld.idx.msk [tilespmem:v60+s17+$0x0], $0xffff  }
0x1ca: {  	v19 =	vadd.f32 v21, v19  }
0x1cb: {  	v21 =	vld.idx.msk [tilespmem:v23+s17+$0x0], $0xffff  }
0x1cc: {  	v62 =	vor.u32 s2, v15;
	v19 =	vadd.f32 v22, v19  }
0x1cd: {  	v22 =	vld.idx.msk [tilespmem:v61+s17+$0x0], $0xffff  }
0x1ce: {  	v23 =	vor.u32 s2, v16;
	v19 =	vadd.f32 v20, v19;
	_ =	sdelay $0x1  }
0x1cf: {  	v63 =	vor.u32 s2, v17;
	v19 =	vadd.f32 v21, v19  }
0x1d0: {  	v20 =	vld.idx.msk [tilespmem:v62+s17+$0x0], $0xffff  }
0x1d1: {  	v19 =	vadd.f32 v22, v19;
	v22 =	vor.u32 s2, v18  }
0x1d2: {  	v21 =	vld.idx.msk [tilespmem:v23+s17+$0x0], $0xffff;
	_ =	sdelay $0x1  }
0x1d3: {  	v23 =	vld.idx.msk [tilespmem:v63+s17+$0x0], $0xffff  }
0x1d4: {  	v19 =	vadd.f32 v20, v19  }
0x1d5: {  	v20 =	vld.idx.msk [tilespmem:v22+s17+$0x0], $0xffff  }
0x1d6: {  	v21 =	vadd.f32 v21, v19  }
0x1d7: {  	s25 =	simm.s32 $0x200  }
0x1d8: {  	s26 =	simm.s32 $0x300;
	v19 =	vor.u32 s25, v3;
	v21 =	vadd.f32 v23, v21  }
.LBB2_11:
0x1d9: {  	p1 =	sne.s32 s26, $0xB00  }
0x1da: {  	v22 =	vor.u32 s25, v4;
	v20 =	vadd.f32 v20, v21  }
0x1db: {  	s24 =	sadd.s32 $0x10, s24  }
0x1dc: {  	v21 =	vor.u32 s25, v5;
	[tilespmem:s24+$0x0] =	vst v20  }
0x1dd: {  	v19 =	vld.idx.msk [tilespmem:v19+s17+$0x0], $0xffff  }
0x1de: {  	v20 =	vor.u32 s25, v6  }
0x1df: {  	v22 =	vld.idx.msk [tilespmem:v22+s17+$0x0], $0xffff  }
0x1e0: {  	v23 =	vor.u32 s25, v7  }
0x1e1: {  	v21 =	vld.idx.msk [tilespmem:v21+s17+$0x0], $0xffff  }
0x1e2: {  	v24 =	vor.u32 s25, v8  }
0x1e3: {  	v19 =	vadd.f32 $0.0e+00, v19;
	v20 =	vld.idx.msk [tilespmem:v20+s17+$0x0], $0xffff  }
0x1e4: {  	v25 =	vor.u32 s25, v9  }
0x1e5: {  	v19 =	vadd.f32 v22, v19;
	v22 =	vld.idx.msk [tilespmem:v23+s17+$0x0], $0xffff  }
0x1e6: {  	v23 =	vor.u32 s25, v10  }
0x1e7: {  	v19 =	vadd.f32 v21, v19;
	v21 =	vld.idx.msk [tilespmem:v24+s17+$0x0], $0xffff  }
0x1e8: {  	v24 =	vor.u32 s25, v11  }
0x1e9: {  	v19 =	vadd.f32 v20, v19;
	v20 =	vld.idx.msk [tilespmem:v25+s17+$0x0], $0xffff  }
0x1ea: {  	v25 =	vor.u32 s25, v12  }
0x1eb: {  	v19 =	vadd.f32 v22, v19;
	v22 =	vld.idx.msk [tilespmem:v23+s17+$0x0], $0xffff  }
0x1ec: {  	v23 =	vor.u32 s25, v13  }
0x1ed: {  	v19 =	vadd.f32 v21, v19;
	v21 =	vld.idx.msk [tilespmem:v24+s17+$0x0], $0xffff  }
0x1ee: {  	v24 =	vor.u32 s25, v14  }
0x1ef: {  	v19 =	vadd.f32 v20, v19;
	v20 =	vld.idx.msk [tilespmem:v25+s17+$0x0], $0xffff  }
0x1f0: {  	v25 =	vor.u32 s25, v15  }
0x1f1: {  	v19 =	vadd.f32 v22, v19;
	v22 =	vld.idx.msk [tilespmem:v23+s17+$0x0], $0xffff  }
0x1f2: {  	v23 =	vor.u32 s25, v16  }
0x1f3: {  	v19 =	vadd.f32 v21, v19;
	v21 =	vld.idx.msk [tilespmem:v24+s17+$0x0], $0xffff  }
0x1f4: {  	v24 =	vor.u32 s25, v17  }
0x1f5: {  	v19 =	vadd.f32 v20, v19;
	v20 =	vld.idx.msk [tilespmem:v25+s17+$0x0], $0xffff  }
0x1f6: {  	v25 =	vor.u32 s25, v18;
	s25 =	smov.u32 s26  }
0x1f7: {  	v19 =	vadd.f32 v22, v19;
	v22 =	vld.idx.msk [tilespmem:v23+s17+$0x0], $0xffff;
	_ =	sdelay $0x1  }
0x1f8: {  	v19 =	vadd.f32 v21, v19;
	v21 =	vld.idx.msk [tilespmem:v24+s17+$0x0], $0xffff;
	_ =	sdelay $0x1  }
.Ltmp11:
0x1f9: {  	v19 =	vadd.f32 v20, v19;
	v20 =	vld.idx.msk [tilespmem:v25+s17+$0x0], $0xffff;
	(pc) =	sbr.rel @p1 .LBB2_11-.Ltmp11, $3  }
0x1fa: {  	_ = 	snop  }
0x1fb: {  	v22 =	vadd.f32 v22, v19;
	_ =	sdelay $0x1  }
0x1fc: {  	s26 =	sadd.s32 $0x100, s26;
	v19 =	vor.u32 s25, v3;
	v21 =	vadd.f32 v21, v22  }
0x1fd: {  	_ = 	snop  }
0x1fe: {  	v22 =	vor.u32 s25, v4;
	v20 =	vadd.f32 v20, v21  }
0x1ff: {  	s2 =	sadd.s32 $0x10, s24  }
0x200: {  	v46 =	vor.u32 s25, v5;
	[tilespmem:s2+$0x0] =	vst v20  }
0x201: {  	v19 =	vld.idx.msk [tilespmem:v19+s17+$0x0], $0xffff  }
0x202: {  	v20 =	vor.u32 s25, v6  }
0x203: {  	v22 =	vld.idx.msk [tilespmem:v22+s17+$0x0], $0xffff  }
0x204: {  	v23 =	vor.u32 s25, v7  }
0x205: {  	v21 =	vld.idx.msk [tilespmem:v46+s17+$0x0], $0xffff  }
0x206: {  	v24 =	vor.u32 s25, v8;
	v19 =	vadd.f32 $0.0e+00, v19  }
0x207: {  	v20 =	vld.idx.msk [tilespmem:v20+s17+$0x0], $0xffff  }
0x208: {  	v25 =	vor.u32 s25, v9;
	v19 =	vadd.f32 v22, v19  }
0x209: {  	v47 =	vld.idx.msk [tilespmem:v23+s17+$0x0], $0xffff  }
0x20a: {  	v48 =	vor.u32 s25, v10;
	v19 =	vadd.f32 v21, v19  }
0x20b: {  	v49 =	vld.idx.msk [tilespmem:v24+s17+$0x0], $0xffff  }
0x20c: {  	v50 =	vor.u32 s25, v11;
	v19 =	vadd.f32 v20, v19  }
0x20d: {  	v20 =	vld.idx.msk [tilespmem:v25+s17+$0x0], $0xffff  }
0x20e: {  	v51 =	vor.u32 s25, v12;
	v19 =	vadd.f32 v47, v19  }
0x20f: {  	v52 =	vld.idx.msk [tilespmem:v48+s17+$0x0], $0xffff  }
0x210: {  	v53 =	vor.u32 s25, v13;
	v19 =	vadd.f32 v49, v19  }
0x211: {  	v54 =	vld.idx.msk [tilespmem:v50+s17+$0x0], $0xffff  }
0x212: {  	v55 =	vor.u32 s25, v14;
	v19 =	vadd.f32 v20, v19  }
0x213: {  	v20 =	vld.idx.msk [tilespmem:v51+s17+$0x0], $0xffff  }
0x214: {  	v56 =	vor.u32 s25, v15;
	v19 =	vadd.f32 v52, v19  }
0x215: {  	v57 =	vld.idx.msk [tilespmem:v53+s17+$0x0], $0xffff  }
0x216: {  	v58 =	vor.u32 s25, v16;
	v19 =	vadd.f32 v54, v19  }
0x217: {  	v59 =	vld.idx.msk [tilespmem:v55+s17+$0x0], $0xffff  }
0x218: {  	v60 =	vor.u32 s25, v17;
	v19 =	vadd.f32 v20, v19  }
0x219: {  	v20 =	vld.idx.msk [tilespmem:v56+s17+$0x0], $0xffff  }
0x21a: {  	v61 =	vor.u32 s25, v18;
	v19 =	vadd.f32 v57, v19  }
0x21b: {  	v62 =	vld.idx.msk [tilespmem:v58+s17+$0x0], $0xffff  }
0x21c: {  	v19 =	vadd.f32 v59, v19  }
0x21d: {  	v63 =	vld.idx.msk [tilespmem:v60+s17+$0x0], $0xffff  }
0x21e: {  	v19 =	vadd.f32 v20, v19  }
0x21f: {  	v20 =	vld.idx.msk [tilespmem:v61+s17+$0x0], $0xffff  }
0x220: {  	v19 =	vadd.f32 v62, v19;
	_ =	sdelay $0x1  }
0x221: {  	v19 =	vadd.f32 v63, v19;
	_ =	sdelay $0x1  }
0x222: {  	s23 =	sadd.s32 $0x1, s23;
	v19 =	vadd.f32 v20, v19  }
0x223: {  	p1 =	sne.s32 s23, s14;
	s2 =	sadd.s32 $0x10, s2  }
.Ltmp12:
0x224: {  	[tilespmem:s2+$0x0] =	vst v19;
	(pc) =	sbr.rel @p1 .LBB2_1-.Ltmp12, $4  }
0x225: {  	[hbm4b:s13+s19] =	stream.strided.scatter [tilespmem:s21], [sflag:$0x3], $0x100, s20, s19, $0x38;
	[tilespmem:$0x10D00] =	vst v63  }
0x226: {  	_ =	swait.ge [sflag:s22], $0x100  }
0x227: {  	[sflag:s22] =	ssyncset.done $0x0  }
0x228: {  	[sflag:s22] =	ssyncadd.s32 $0xFFFFFF00  }
0x229: {  	_ =	sfence.sel $0x180000  }
0x22a: {  	[bflag:$0x0] =	sbarrier.arrive $0xFFFF  }
0x22b: {  	_ =	strace $0x90000047  }
0x22c: {  	s0 =	stileid.u32;
	[bflag:$0x2] =	sbarrier.arrive $0xFFFF  }
0x22d: {  	p0 =	sne.s32 s0, $0x0;
	s0 =	rddreg [dreg:$0x3]  }
0x22e: {  	s0 =	sadd.s32 @!p0 $0x100000, s0  }
0x22f: {  	[sflag:s0] =	ssyncadd.tile.s32 @!p0 $0x1;
	_ =	shalt  }
.Lfunc_end2:
_tile_overlayer_lowered:
.L_overlay_start_2:
0x230: {  	(tag) =	ssettag $0x2  }
0x231: {  	s0 =	rddreg [dreg:$0x0];
	s2 =	stileid.u32  }
0x232: {  	s1 =	rddreg [dreg:$0x1];
	p0 =	sne.s32 s2, $0x0  }
0x233: {  	s3 =	rddreg [dreg:$0x2];
	[bflag:$0x3] =	sbarrier.arrive $0xFFFF;
	s2 =	simm.s32 @!p0 $0x1C03  }
0x234: {  	[timem:s3], [sflag:s2] =	dma.local @!p0 [hbm:s0], s1  }
0x235: {  	s0 =	simm.s32 @!p0 $0x3  }
0x236: {  	_ =	swait.ge @!p0 [sflag:s0], s1  }
0x237: {  	s1 =	ssub.s32 @!p0 $0x0, s1;
	[sflag:s0] =	ssyncset.done @!p0 $0x0  }
0x238: {  	[sflag:s0] =	ssyncadd.s32 @!p0 s1  }
0x239: {  	[bflag:$0x3] =	sbarrier.arrive $0xFFFF  }
0x23a: {  	_ =	shalt  }

</sc_bundles>
